<compile_context>
chip_gen: v7x
topology: tpu7x:2x2x1
jax: 0.10.2.dev20260603
libtpu: 0.0.44.dev20260713+nightly
codegen_flags: <defaults>
</compile_context>

<pallas_src>
import functools

import jax
import jax.numpy as jnp
from jax import lax
from jax.experimental import pallas as pl
from jax.experimental.pallas import tpu as pltpu
from jax.experimental.pallas import tpu_sc as plsc

_NC = 2
_NS = 16
_NW = _NC * _NS
_LANES = 16

_CHUNK = 128
_CP_CHUNKS = 5


def _sc_segment_mean_parts(x_aug, src, dst, n_pad):
    n_tab, wa = x_aug.shape
    e = src.shape[0]
    assert wa % _LANES == 0
    assert e % (_NW * 2 * _CHUNK) == 0
    edges_per_tile = e // _NW
    n2 = edges_per_tile // (2 * _CHUNK)
    rows_per_tile = n_pad // _NS
    assert rows_per_tile % (_CP_CHUNKS * 8) == 0
    cp_rows = rows_per_tile // _CP_CHUNKS
    assert cp_rows == _CHUNK

    mesh = plsc.VectorSubcoreMesh(
        core_axis_name="c", subcore_axis_name="s",
        num_cores=_NC, num_subcores=_NS)

    @functools.partial(
        pl.kernel,
        out_type=jax.ShapeDtypeStruct((_NC, n_pad, wa), jnp.float32),
        mesh=mesh,
        scratch_types=[
            pltpu.VMEM_SHARED((n_pad, wa), jnp.float32),
            pltpu.VMEM((_CHUNK, wa), jnp.float32),
            pltpu.VMEM((_CHUNK, wa), jnp.float32),
            pltpu.VMEM((_CHUNK,), jnp.int32),
            pltpu.VMEM((_CHUNK,), jnp.int32),
            pltpu.VMEM((_CHUNK,), jnp.int32),
            pltpu.VMEM((_CHUNK,), jnp.int32),
            pltpu.SemaphoreType.DMA,
            pltpu.SemaphoreType.DMA,
            pltpu.SemaphoreType.DMA,
            pltpu.SemaphoreType.DMA,
        ],
        compiler_params=pltpu.CompilerParams(use_tc_tiling_on_sc=False),
    )
    def seg(xaug_hbm, src_hbm, dst_hbm, out_hbm,
            accum, rows_a, rows_b, src_a, dst_a, src_b, dst_b,
            sem_ia, sem_ib, sem_ga, sem_gb):
        cbuf = rows_a
        cid = lax.axis_index("c")
        sid = lax.axis_index("s")
        wid = sid * _NC + cid
        row_base = sid * rows_per_tile

        def zrow(i, c):
            for j in range(wa // _LANES):
                cbuf[i, pl.ds(j * _LANES, _LANES)] = (
                    jnp.zeros((_LANES,), jnp.float32))
            return c
        lax.fori_loop(0, cp_rows, zrow, 0)
        for t in range(_CP_CHUNKS):
            pltpu.sync_copy(
                cbuf, accum.at[pl.ds(row_base + t * cp_rows, cp_rows), :])
        plsc.subcore_barrier()

        e_base = wid * edges_per_tile

        def start_idx(j, sv, dv, sem):
            eb = e_base + j * _CHUNK
            pltpu.async_copy(src_hbm.at[pl.ds(eb, _CHUNK)], sv, sem)
            pltpu.async_copy(dst_hbm.at[pl.ds(eb, _CHUNK)], dv, sem)

        def wait_idx(sv, dv, sem):
            pltpu.make_async_copy(src_hbm.at[pl.ds(0, _CHUNK)], sv,
                                  sem).wait()
            pltpu.make_async_copy(dst_hbm.at[pl.ds(0, _CHUNK)], dv,
                                  sem).wait()

        start_idx(0, src_a, dst_a, sem_ia)
        wait_idx(src_a, dst_a, sem_ia)
        pltpu.async_copy(xaug_hbm.at[src_a], rows_a, sem_ga)
        start_idx(1, src_b, dst_b, sem_ib)

        def ebody(k, c):
            wait_idx(src_b, dst_b, sem_ib)
            pltpu.make_async_copy(xaug_hbm.at[src_a], rows_a, sem_ga).wait()
            pltpu.async_copy(xaug_hbm.at[src_b], rows_b, sem_gb)
            pltpu.sync_copy(rows_a, accum.at[dst_a], add=True)

            @pl.when(k < n2 - 1)
            def _():
                start_idx(2 * k + 2, src_a, dst_a, sem_ia)
            pltpu.make_async_copy(xaug_hbm.at[src_b], rows_b, sem_gb).wait()

            @pl.when(k < n2 - 1)
            def _():
                wait_idx(src_a, dst_a, sem_ia)
                pltpu.async_copy(xaug_hbm.at[src_a], rows_a, sem_ga)
            pltpu.sync_copy(rows_b, accum.at[dst_b], add=True)

            @pl.when(k < n2 - 1)
            def _():
                start_idx(2 * k + 3, src_b, dst_b, sem_ib)
            return c
        lax.fori_loop(0, n2, ebody, 0)
        plsc.subcore_barrier()

        for t in range(_CP_CHUNKS):
            r0 = row_base + t * cp_rows
            pltpu.sync_copy(accum.at[pl.ds(r0, cp_rows), :], cbuf)
            pltpu.sync_copy(cbuf, out_hbm.at[cid, pl.ds(r0, cp_rows), :])

    return seg(x_aug, src, dst)


def _tc_dense(parts, carry, keep,
              W_gnn, b_gnn, ln_scale, ln_bias,
              Wi, Wh, bi, bh, W_g1, b_g1, w_g2, b_g2,
              W_h1, b_h1, w_o, b_o, *, n, d, hd, blk):
    nb = n // blk
    wa = parts.shape[2]

    def body(p0_ref, p1_ref, carry_ref, keep_ref,
             wg_ref, bg_ref, lns_ref, lnb_ref,
             wi_ref, wh_ref, bi_ref, bh_ref,
             wg1_ref, bg1_ref, wg2_ref, bg2_ref,
             wh1_ref, bh1_ref, wo_ref, bo_ref,
             val_ref, nc_ref,
             m_s, s_s, p_acc):
        i = pl.program_id(0)

        @pl.when(i == 0)
        def _init():
            m_s[0, 0] = -jnp.inf
            s_s[0, 0] = 0.0
            p_acc[...] = jnp.zeros_like(p_acc)

        p0 = p0_ref[0]
        p1 = p1_ref[0]
        agg = p0[:, :d] + p1[:, :d]
        degs = p0[:, d:] + p1[:, d:]
        deg = jnp.maximum(jnp.sum(degs, axis=-1, keepdims=True), 1.0)
        h = agg / deg
        h = jnp.maximum(
            jnp.dot(h, wg_ref[...], preferred_element_type=jnp.float32)
            + bg_ref[...], 0.0)
        mu = jnp.mean(h, axis=-1, keepdims=True)
        hc = h - mu
        var = jnp.mean(hc * hc, axis=-1, keepdims=True)
        h = hc / jnp.sqrt(var + 1e-6) * lns_ref[...] + lnb_ref[...]

        ce = carry_ref[...] * keep_ref[...]
        gx = jnp.dot(h, wi_ref[...], preferred_element_type=jnp.float32) \
            + bi_ref[...]
        gh = jnp.dot(ce, wh_ref[...], preferred_element_type=jnp.float32) \
            + bh_ref[...]
        r = jax.nn.sigmoid(gx[:, :hd] + gh[:, :hd])
        z = jax.nn.sigmoid(gx[:, hd:2 * hd] + gh[:, hd:2 * hd])
        nn = jnp.tanh(gx[:, 2 * hd:] + r * gh[:, 2 * hd:])
        nc = (1.0 - z) * nn + z * ce
        nc_ref[...] = nc

        gate = jnp.maximum(
            jnp.dot(nc, wg1_ref[...], preferred_element_type=jnp.float32)
            + bg1_ref[...], 0.0)
        gf = jnp.dot(gate, wg2_ref[...], preferred_element_type=jnp.float32) \
            + bg2_ref[...]

        bm = jnp.max(gf)
        m_old = m_s[0, 0]
        m_new = jnp.maximum(m_old, bm)
        alpha = jnp.exp(m_old - m_new)
        w = jnp.exp(gf - m_new)
        s_s[0, 0] = s_s[0, 0] * alpha + jnp.sum(w)
        p_acc[...] = p_acc[...] * alpha + jnp.sum(w * nc, axis=0,
                                                  keepdims=True)
        m_s[0, 0] = m_new

        @pl.when(i == nb - 1)
        def _final():
            pooled = p_acc[...] / s_s[0, 0]
            head = jnp.maximum(
                jnp.dot(pooled, wh1_ref[...],
                        preferred_element_type=jnp.float32) + bh1_ref[...],
                0.0)
            val_ref[...] = jnp.dot(
                head, wo_ref[...], preferred_element_type=jnp.float32) \
                + bo_ref[...]

    full = lambda a: pl.BlockSpec(a.shape, lambda i: (0,) * a.ndim)
    return pl.pallas_call(
        body,
        grid=(nb,),
        in_specs=[
            pl.BlockSpec((1, blk, wa), lambda i: (0, i, 0)),
            pl.BlockSpec((1, blk, wa), lambda i: (1, i, 0)),
            pl.BlockSpec((blk, hd), lambda i: (i, 0)),
            pl.BlockSpec((blk, 1), lambda i: (i, 0)),
            full(W_gnn), full(b_gnn), full(ln_scale), full(ln_bias),
            full(Wi), full(Wh), full(bi), full(bh),
            full(W_g1), full(b_g1), full(w_g2), full(b_g2),
            full(W_h1), full(b_h1), full(w_o), full(b_o),
        ],
        out_specs=[
            pl.BlockSpec((1, 1), lambda i: (0, 0)),
            pl.BlockSpec((blk, hd), lambda i: (i, 0)),
        ],
        out_shape=[
            jax.ShapeDtypeStruct((1, 1), jnp.float32),
            jax.ShapeDtypeStruct((n, hd), jnp.float32),
        ],
        scratch_shapes=[
            pltpu.SMEM((1, 1), jnp.float32),
            pltpu.SMEM((1, 1), jnp.float32),
            pltpu.VMEM((1, hd), jnp.float32),
        ],
    )(parts, parts, carry, keep,
      W_gnn, b_gnn, ln_scale, ln_bias, Wi, Wh, bi, bh,
      W_g1, b_g1, w_g2, b_g2, W_h1, b_h1, w_o, b_o)


def kernel(x, edge_index, n_agents, carry, done_prev,
           W_gnn, b_gnn, ln_scale, ln_bias, Wi, Wh, bi, bh,
           W_g1, b_g1, w_g2, b_g2, W_h1, b_h1, w_o, b_o):
    n, d = x.shape
    hd = W_gnn.shape[1]
    e = edge_index.shape[1]
    n_pad = 10240

    grain = _NW * 2 * _CHUNK
    e_pad = -(-e // grain) * grain
    ei = jnp.concatenate(
        [edge_index,
         jnp.full((2, e_pad - e), n_pad - 1, edge_index.dtype)], axis=1)
    src = ei[0]
    dst = ei[1]

    x_aug = jnp.pad(
        jnp.concatenate(
            [x, jnp.ones((n, 1), jnp.float32),
             jnp.zeros((n, _LANES - 1), jnp.float32)], axis=1),
        ((0, n_pad - n), (0, 0)))

    parts = _sc_segment_mean_parts(x_aug, src, dst, n_pad)

    keep = (1.0 - done_prev.astype(jnp.float32)).reshape(n, 1)
    val2, new_carry = _tc_dense(
        parts, carry, keep,
        W_gnn, b_gnn.reshape(1, -1), ln_scale.reshape(1, -1),
        ln_bias.reshape(1, -1), Wi, Wh, bi.reshape(1, -1),
        bh.reshape(1, -1), W_g1, b_g1.reshape(1, -1), w_g2,
        b_g2.reshape(1, -1), W_h1, b_h1.reshape(1, -1), w_o,
        b_o.reshape(1, -1), n=n, d=d, hd=hd, blk=400)
    return (val2.reshape(1), new_carry)

# --- scband reference (transcript-rebuilt; emitter-appended) ---
"""Pipeline reference for scband-state-fn-rnn-78022375899249 (READ-ONLY COPY).

The authoritative reference and input builder live on the scoring server;
editing this copy changes nothing except your own understanding.
"""

import jax, jax.numpy as jnp
import numpy as np

N = 10000
E = 320000
D = 128
H = 128

def _init(key, shape):
    s = 1.0 / np.sqrt(shape[0])
    return jax.random.uniform(key, shape, jnp.float32, -s, s)

def setup_inputs(seed: int = 0):
    key = jax.random.key(seed)
    ks = jax.random.split(key, 20)
    inp = {}
    inp["x"] = jax.random.normal(ks[0], (N, D), jnp.float32)
    inp["edge_index"] = jax.random.randint(ks[1], (2, E), 0, N, dtype=jnp.int32)
    inp["n_agents"] = N
    inp["carry"] = jax.random.normal(ks[2], (N, H), jnp.float32)
    inp["done_prev"] = jnp.zeros((N,), dtype=bool)
    inp["W_gnn"] = _init(ks[3], (D, H))
    inp["b_gnn"] = jnp.zeros((H,), jnp.float32)
    inp["ln_scale"] = jnp.ones((H,), jnp.float32)
    inp["ln_bias"] = jnp.zeros((H,), jnp.float32)
    inp["Wi"] = _init(ks[4], (H, 3 * H))
    inp["Wh"] = _init(ks[5], (H, 3 * H))
    inp["bi"] = jnp.zeros((3 * H,), jnp.float32)
    inp["bh"] = jnp.zeros((3 * H,), jnp.float32)
    inp["W_g1"] = _init(ks[6], (H, H))
    inp["b_g1"] = jnp.zeros((H,), jnp.float32)
    inp["w_g2"] = _init(ks[7], (H, 1))
    inp["b_g2"] = jnp.zeros((1,), jnp.float32)
    inp["W_h1"] = _init(ks[8], (H, H))
    inp["b_h1"] = jnp.zeros((H,), jnp.float32)
    inp["w_o"] = _init(ks[9], (H, 1))
    inp["b_o"] = jnp.zeros((1,), jnp.float32)
    return inp

def _layer_norm(h, scale, bias, eps=1e-6):
    mu = jnp.mean(h, axis=-1, keepdims=True)
    var = jnp.var(h, axis=-1, keepdims=True)
    return (h - mu) / jnp.sqrt(var + eps) * scale + bias

def reference(x, edge_index, n_agents, carry, done_prev, W_gnn, b_gnn, ln_scale, ln_bias, Wi, Wh, bi, bh, W_g1, b_g1, w_g2, b_g2, W_h1, b_h1, w_o, b_o):
    # --- gnn_cls: mean-aggregation message passing over type-0 (agent) nodes ---
    src = edge_index[0]
    dst = edge_index[1]
    msgs = jnp.take(x, src, axis=0)
    agg = jax.ops.segment_sum(msgs, dst, num_segments=x.shape[0])
    deg = jax.ops.segment_sum(jnp.ones((src.shape[0],), jnp.float32), dst, num_segments=x.shape[0])
    h = agg / jnp.maximum(deg, 1.0)[:, None]
    h = jax.nn.relu(h @ W_gnn + b_gnn)
    h = jax.lax.dynamic_slice_in_dim(h, n_agents - x.shape[0], x.shape[0], axis=0)
    # --- PreValueHeadLN ---
    h = _layer_norm(h, ln_scale, ln_bias)
    # --- carry reset on done ---
    done_prev = jnp.asarray(done_prev, dtype=bool)
    reset_mask = done_prev if done_prev.ndim > 0 else done_prev[None]
    carry = jnp.where(reset_mask[:, None], jnp.zeros_like(carry), carry)
    # --- GRUCell ---
    gx = h @ Wi + bi
    gh = carry @ Wh + bh
    xr, xz, xn = jnp.split(gx, 3, axis=-1)
    hr, hz, hn = jnp.split(gh, 3, axis=-1)
    r = jax.nn.sigmoid(xr + hr)
    z = jax.nn.sigmoid(xz + hz)
    n = jnp.tanh(xn + r * hn)
    new_carry = (1.0 - z) * n + z * carry
    gru_out = new_carry
    # --- aggr_cls + gate Dense(1) + softmax attention pooling over agents ---
    gate = jax.nn.relu(gru_out @ W_g1 + b_g1)
    gate_feats = (gate @ w_g2 + b_g2).squeeze(-1)
    attn = jax.nn.softmax(gate_feats, axis=-1)
    pooled = jnp.sum(attn[:, None] * gru_out, axis=0)
    # --- head_cls + Dense(1) ---
    head = jax.nn.relu(pooled @ W_h1 + b_h1)
    val = head @ w_o + b_o
    return (val, new_carry)

if __name__ == "__main__":
    import jax
    _d = setup_inputs()
    print(jax.jit(kernel)(*tuple(_d.values())))

</pallas_src>

<mosaic_0001>
#map = affine_map<(d0, d1) -> (0, 0)>
#map1 = affine_map<(d0, d1) -> (0)>
#map2 = affine_map<(d0, d1) -> (0, 0, 0)>
module attributes {stable_mosaic.version = 14 : i64} {
  func.func @seg(%arg0: i32, %arg1: i32, %arg2: memref<10240x144xf32, #tpu.memory_space<hbm>>, %arg3: memref<327680xi32, #tpu.memory_space<hbm>>, %arg4: memref<327680xi32, #tpu.memory_space<hbm>>, %arg5: memref<2x10240x144xf32, #tpu.memory_space<hbm>>, %arg6: memref<10240x144xf32, #tpu.memory_space<vmem_shared>>, %arg7: memref<128x144xf32, #tpu.memory_space<vmem>>, %arg8: memref<128x144xf32, #tpu.memory_space<vmem>>, %arg9: memref<128xi32, #tpu.memory_space<vmem>>, %arg10: memref<128xi32, #tpu.memory_space<vmem>>, %arg11: memref<128xi32, #tpu.memory_space<vmem>>, %arg12: memref<128xi32, #tpu.memory_space<vmem>>, %arg13: memref<!tpu.dma_semaphore, #tpu.memory_space<semaphore_mem>>, %arg14: memref<!tpu.dma_semaphore, #tpu.memory_space<semaphore_mem>>, %arg15: memref<!tpu.dma_semaphore, #tpu.memory_space<semaphore_mem>>, %arg16: memref<!tpu.dma_semaphore, #tpu.memory_space<semaphore_mem>>) attributes {dimension_semantics = [#tpu.dimension_semantics<core_parallel>, #tpu.dimension_semantics<subcore_parallel>], iteration_bounds = array<i64: 2, 16>, scalar_prefetch = 0 : i64, scratch_operands = 11 : i64, tpu.core_type = #tpu.core_type<sc_vector_subcore>, window_params = [{transform_indices = #map}, {transform_indices = #map1}, {transform_indices = #map1}, {transform_indices = #map2}]} {
    %mul3A = arith.constant 2 : i32
    %mul3A_0 = arith.muli %arg1, %mul3A : i32
    %add3A = arith.addi %mul3A_0, %arg0 : i32
    %mul3A_1 = arith.constant 640 : i32
    %mul3A_2 = arith.muli %arg1, %mul3A_1 : i32
    %scan3A = arith.constant 0 : i32
    %scan3A_3 = arith.constant 0 : i32
    %scan3A_4 = arith.constant 128 : i32
    %scan3A_5 = arith.addi %scan3A_3, %scan3A_4 : i32
    %scan3A_6 = arith.constant 1 : i32
    scf.for %scan3A_58 = %scan3A_3 to %scan3A_5 step %scan3A_6  : i32 {
      %broadcast_in_dim3A = arith.constant 0.000000e+00 : f32
      %broadcast_in_dim3A_59 = vector.broadcast %broadcast_in_dim3A : f32 to vector<16xf32>
      %swap3A = arith.index_cast %scan3A_58 : i32 to index
      %swap3A_60 = arith.constant 0 : index
      %swap3A_61 = tpu.vector_load %arg7[%swap3A, %swap3A_60] {strides = array<i32>} : memref<128x144xf32, #tpu.memory_space<vmem>>, vector<1x16xf32>,
      %swap3A_62 = vector.shape_cast %swap3A_61 : vector<1x16xf32> to vector<16xf32>
      %swap3A_63 = vector.shape_cast %broadcast_in_dim3A_59 : vector<16xf32> to vector<1x16xf32>
      tpu.vector_store %arg7[%swap3A, %swap3A_60], %swap3A_63 {strides = array<i32>} : memref<128x144xf32, #tpu.memory_space<vmem>>, vector<1x16xf32>,
      %broadcast_in_dim3A_64 = arith.constant 0.000000e+00 : f32
      %broadcast_in_dim3A_65 = vector.broadcast %broadcast_in_dim3A_64 : f32 to vector<16xf32>
      %swap3A_66 = arith.index_cast %scan3A_58 : i32 to index
      %swap3A_67 = arith.constant 16 : index
      %swap3A_68 = tpu.vector_load %arg7[%swap3A_66, %swap3A_67] {strides = array<i32>} : memref<128x144xf32, #tpu.memory_space<vmem>>, vector<1x16xf32>,
      %swap3A_69 = vector.shape_cast %swap3A_68 : vector<1x16xf32> to vector<16xf32>
      %swap3A_70 = vector.shape_cast %broadcast_in_dim3A_65 : vector<16xf32> to vector<1x16xf32>
      tpu.vector_store %arg7[%swap3A_66, %swap3A_67], %swap3A_70 {strides = array<i32>} : memref<128x144xf32, #tpu.memory_space<vmem>>, vector<1x16xf32>,
      %broadcast_in_dim3A_71 = arith.constant 0.000000e+00 : f32
      %broadcast_in_dim3A_72 = vector.broadcast %broadcast_in_dim3A_71 : f32 to vector<16xf32>
      %swap3A_73 = arith.index_cast %scan3A_58 : i32 to index
      %swap3A_74 = arith.constant 32 : index
      %swap3A_75 = tpu.vector_load %arg7[%swap3A_73, %swap3A_74] {strides = array<i32>} : memref<128x144xf32, #tpu.memory_space<vmem>>, vector<1x16xf32>,
      %swap3A_76 = vector.shape_cast %swap3A_75 : vector<1x16xf32> to vector<16xf32>
      %swap3A_77 = vector.shape_cast %broadcast_in_dim3A_72 : vector<16xf32> to vector<1x16xf32>
      tpu.vector_store %arg7[%swap3A_73, %swap3A_74], %swap3A_77 {strides = array<i32>} : memref<128x144xf32, #tpu.memory_space<vmem>>, vector<1x16xf32>,
      %broadcast_in_dim3A_78 = arith.constant 0.000000e+00 : f32
      %broadcast_in_dim3A_79 = vector.broadcast %broadcast_in_dim3A_78 : f32 to vector<16xf32>
      %swap3A_80 = arith.index_cast %scan3A_58 : i32 to index
      %swap3A_81 = arith.constant 48 : index
      %swap3A_82 = tpu.vector_load %arg7[%swap3A_80, %swap3A_81] {strides = array<i32>} : memref<128x144xf32, #tpu.memory_space<vmem>>, vector<1x16xf32>,
      %swap3A_83 = vector.shape_cast %swap3A_82 : vector<1x16xf32> to vector<16xf32>
      %swap3A_84 = vector.shape_cast %broadcast_in_dim3A_79 : vector<16xf32> to vector<1x16xf32>
      tpu.vector_store %arg7[%swap3A_80, %swap3A_81], %swap3A_84 {strides = array<i32>} : memref<128x144xf32, #tpu.memory_space<vmem>>, vector<1x16xf32>,
      %broadcast_in_dim3A_85 = arith.constant 0.000000e+00 : f32
      %broadcast_in_dim3A_86 = vector.broadcast %broadcast_in_dim3A_85 : f32 to vector<16xf32>
      %swap3A_87 = arith.index_cast %scan3A_58 : i32 to index
      %swap3A_88 = arith.constant 64 : index
      %swap3A_89 = tpu.vector_load %arg7[%swap3A_87, %swap3A_88] {strides = array<i32>} : memref<128x144xf32, #tpu.memory_space<vmem>>, vector<1x16xf32>,
      %swap3A_90 = vector.shape_cast %swap3A_89 : vector<1x16xf32> to vector<16xf32>
      %swap3A_91 = vector.shape_cast %broadcast_in_dim3A_86 : vector<16xf32> to vector<1x16xf32>
      tpu.vector_store %arg7[%swap3A_87, %swap3A_88], %swap3A_91 {strides = array<i32>} : memref<128x144xf32, #tpu.memory_space<vmem>>, vector<1x16xf32>,
      %broadcast_in_dim3A_92 = arith.constant 0.000000e+00 : f32
      %broadcast_in_dim3A_93 = vector.broadcast %broadcast_in_dim3A_92 : f32 to vector<16xf32>
      %swap3A_94 = arith.index_cast %scan3A_58 : i32 to index
      %swap3A_95 = arith.constant 80 : index
      %swap3A_96 = tpu.vector_load %arg7[%swap3A_94, %swap3A_95] {strides = array<i32>} : memref<128x144xf32, #tpu.memory_space<vmem>>, vector<1x16xf32>,
      %swap3A_97 = vector.shape_cast %swap3A_96 : vector<1x16xf32> to vector<16xf32>
      %swap3A_98 = vector.shape_cast %broadcast_in_dim3A_93 : vector<16xf32> to vector<1x16xf32>
      tpu.vector_store %arg7[%swap3A_94, %swap3A_95], %swap3A_98 {strides = array<i32>} : memref<128x144xf32, #tpu.memory_space<vmem>>, vector<1x16xf32>,
      %broadcast_in_dim3A_99 = arith.constant 0.000000e+00 : f32
      %broadcast_in_dim3A_100 = vector.broadcast %broadcast_in_dim3A_99 : f32 to vector<16xf32>
      %swap3A_101 = arith.index_cast %scan3A_58 : i32 to index
      %swap3A_102 = arith.constant 96 : index
      %swap3A_103 = tpu.vector_load %arg7[%swap3A_101, %swap3A_102] {strides = array<i32>} : memref<128x144xf32, #tpu.memory_space<vmem>>, vector<1x16xf32>,
      %swap3A_104 = vector.shape_cast %swap3A_103 : vector<1x16xf32> to vector<16xf32>
      %swap3A_105 = vector.shape_cast %broadcast_in_dim3A_100 : vector<16xf32> to vector<1x16xf32>
      tpu.vector_store %arg7[%swap3A_101, %swap3A_102], %swap3A_105 {strides = array<i32>} : memref<128x144xf32, #tpu.memory_space<vmem>>, vector<1x16xf32>,
      %broadcast_in_dim3A_106 = arith.constant 0.000000e+00 : f32
      %broadcast_in_dim3A_107 = vector.broadcast %broadcast_in_dim3A_106 : f32 to vector<16xf32>
      %swap3A_108 = arith.index_cast %scan3A_58 : i32 to index
      %swap3A_109 = arith.constant 112 : index
      %swap3A_110 = tpu.vector_load %arg7[%swap3A_108, %swap3A_109] {strides = array<i32>} : memref<128x144xf32, #tpu.memory_space<vmem>>, vector<1x16xf32>,
      %swap3A_111 = vector.shape_cast %swap3A_110 : vector<1x16xf32> to vector<16xf32>
      %swap3A_112 = vector.shape_cast %broadcast_in_dim3A_107 : vector<16xf32> to vector<1x16xf32>
      tpu.vector_store %arg7[%swap3A_108, %swap3A_109], %swap3A_112 {strides = array<i32>} : memref<128x144xf32, #tpu.memory_space<vmem>>, vector<1x16xf32>,
      %broadcast_in_dim3A_113 = arith.constant 0.000000e+00 : f32
      %broadcast_in_dim3A_114 = vector.broadcast %broadcast_in_dim3A_113 : f32 to vector<16xf32>
      %swap3A_115 = arith.index_cast %scan3A_58 : i32 to index
      %swap3A_116 = arith.constant 128 : index
      %swap3A_117 = tpu.vector_load %arg7[%swap3A_115, %swap3A_116] {strides = array<i32>} : memref<128x144xf32, #tpu.memory_space<vmem>>, vector<1x16xf32>,
      %swap3A_118 = vector.shape_cast %swap3A_117 : vector<1x16xf32> to vector<16xf32>
      %swap3A_119 = vector.shape_cast %broadcast_in_dim3A_114 : vector<16xf32> to vector<1x16xf32>
      tpu.vector_store %arg7[%swap3A_115, %swap3A_116], %swap3A_119 {strides = array<i32>} : memref<128x144xf32, #tpu.memory_space<vmem>>, vector<1x16xf32>,
    }
    %scan3A_7 = arith.constant 128 : i32
    %add3A_8 = arith.constant 0 : i32
    %add3A_9 = arith.addi %mul3A_2, %add3A_8 : i32
    "tpu.region"() ({
      %run_scoped3A = tpu.sem_alloc : memref<!tpu.dma_semaphore, #tpu.memory_space<semaphore_mem>>
      %dma_start3A_58 = arith.constant 0 : i32
      %dma_start3A_59 = tpu.memref_slice %arg6[%add3A_9, %dma_start3A_58] : memref<10240x144xf32, #tpu.memory_space<vmem_shared>> -> memref<128x144xf32, #tpu.memory_space<vmem_shared>>
      %dma_start3A_60 = arith.constant 0 : i32
      %dma_start3A_61 = tpu.memref_slice %arg6[%add3A_9, %dma_start3A_60] : memref<10240x144xf32, #tpu.memory_space<vmem_shared>> -> memref<128x144xf32, #tpu.memory_space<vmem_shared>>
      tpu.enqueue_dma source(%arg7 : memref<128x144xf32, #tpu.memory_space<vmem>>) target(%dma_start3A_61 : memref<128x144xf32, #tpu.memory_space<vmem_shared>>) target_semaphore(%run_scoped3A : memref<!tpu.dma_semaphore, #tpu.memory_space<semaphore_mem>>)
      %dma_wait3A_62 = arith.constant 0 : i32
      %dma_wait3A_63 = tpu.memref_slice %arg6[%add3A_9, %dma_wait3A_62] : memref<10240x144xf32, #tpu.memory_space<vmem_shared>> -> memref<128x144xf32, #tpu.memory_space<vmem_shared>>
      %dma_wait3A_64 = arith.constant 0 : i32
      %dma_wait3A_65 = tpu.memref_slice %arg6[%add3A_9, %dma_wait3A_64] : memref<10240x144xf32, #tpu.memory_space<vmem_shared>> -> memref<128x144xf32, #tpu.memory_space<vmem_shared>>
      tpu.wait_dma2 semaphore(%run_scoped3A : memref<!tpu.dma_semaphore, #tpu.memory_space<semaphore_mem>>) src(%arg7 : memref<128x144xf32, #tpu.memory_space<vmem>>) dst(%dma_wait3A_65 : memref<128x144xf32, #tpu.memory_space<vmem_shared>>)
      tpu.yield
    }) : () -> ()
    %add3A_10 = arith.constant 128 : i32
    %add3A_11 = arith.addi %mul3A_2, %add3A_10 : i32
    "tpu.region"() ({
      %run_scoped3A = tpu.sem_alloc : memref<!tpu.dma_semaphore, #tpu.memory_space<semaphore_mem>>
      %dma_start3A_58 = arith.constant 0 : i32
      %dma_start3A_59 = tpu.memref_slice %arg6[%add3A_11, %dma_start3A_58] : memref<10240x144xf32, #tpu.memory_space<vmem_shared>> -> memref<128x144xf32, #tpu.memory_space<vmem_shared>>
      %dma_start3A_60 = arith.constant 0 : i32
      %dma_start3A_61 = tpu.memref_slice %arg6[%add3A_11, %dma_start3A_60] : memref<10240x144xf32, #tpu.memory_space<vmem_shared>> -> memref<128x144xf32, #tpu.memory_space<vmem_shared>>
      tpu.enqueue_dma source(%arg7 : memref<128x144xf32, #tpu.memory_space<vmem>>) target(%dma_start3A_61 : memref<128x144xf32, #tpu.memory_space<vmem_shared>>) target_semaphore(%run_scoped3A : memref<!tpu.dma_semaphore, #tpu.memory_space<semaphore_mem>>)
      %dma_wait3A_62 = arith.constant 0 : i32
      %dma_wait3A_63 = tpu.memref_slice %arg6[%add3A_11, %dma_wait3A_62] : memref<10240x144xf32, #tpu.memory_space<vmem_shared>> -> memref<128x144xf32, #tpu.memory_space<vmem_shared>>
      %dma_wait3A_64 = arith.constant 0 : i32
      %dma_wait3A_65 = tpu.memref_slice %arg6[%add3A_11, %dma_wait3A_64] : memref<10240x144xf32, #tpu.memory_space<vmem_shared>> -> memref<128x144xf32, #tpu.memory_space<vmem_shared>>
      tpu.wait_dma2 semaphore(%run_scoped3A : memref<!tpu.dma_semaphore, #tpu.memory_space<semaphore_mem>>) src(%arg7 : memref<128x144xf32, #tpu.memory_space<vmem>>) dst(%dma_wait3A_65 : memref<128x144xf32, #tpu.memory_space<vmem_shared>>)
      tpu.yield
    }) : () -> ()
    %add3A_12 = arith.constant 256 : i32
    %add3A_13 = arith.addi %mul3A_2, %add3A_12 : i32
    "tpu.region"() ({
      %run_scoped3A = tpu.sem_alloc : memref<!tpu.dma_semaphore, #tpu.memory_space<semaphore_mem>>
      %dma_start3A_58 = arith.constant 0 : i32
      %dma_start3A_59 = tpu.memref_slice %arg6[%add3A_13, %dma_start3A_58] : memref<10240x144xf32, #tpu.memory_space<vmem_shared>> -> memref<128x144xf32, #tpu.memory_space<vmem_shared>>
      %dma_start3A_60 = arith.constant 0 : i32
      %dma_start3A_61 = tpu.memref_slice %arg6[%add3A_13, %dma_start3A_60] : memref<10240x144xf32, #tpu.memory_space<vmem_shared>> -> memref<128x144xf32, #tpu.memory_space<vmem_shared>>
      tpu.enqueue_dma source(%arg7 : memref<128x144xf32, #tpu.memory_space<vmem>>) target(%dma_start3A_61 : memref<128x144xf32, #tpu.memory_space<vmem_shared>>) target_semaphore(%run_scoped3A : memref<!tpu.dma_semaphore, #tpu.memory_space<semaphore_mem>>)
      %dma_wait3A_62 = arith.constant 0 : i32
      %dma_wait3A_63 = tpu.memref_slice %arg6[%add3A_13, %dma_wait3A_62] : memref<10240x144xf32, #tpu.memory_space<vmem_shared>> -> memref<128x144xf32, #tpu.memory_space<vmem_shared>>
      %dma_wait3A_64 = arith.constant 0 : i32
      %dma_wait3A_65 = tpu.memref_slice %arg6[%add3A_13, %dma_wait3A_64] : memref<10240x144xf32, #tpu.memory_space<vmem_shared>> -> memref<128x144xf32, #tpu.memory_space<vmem_shared>>
      tpu.wait_dma2 semaphore(%run_scoped3A : memref<!tpu.dma_semaphore, #tpu.memory_space<semaphore_mem>>) src(%arg7 : memref<128x144xf32, #tpu.memory_space<vmem>>) dst(%dma_wait3A_65 : memref<128x144xf32, #tpu.memory_space<vmem_shared>>)
      tpu.yield
    }) : () -> ()
    %add3A_14 = arith.constant 384 : i32
    %add3A_15 = arith.addi %mul3A_2, %add3A_14 : i32
    "tpu.region"() ({
      %run_scoped3A = tpu.sem_alloc : memref<!tpu.dma_semaphore, #tpu.memory_space<semaphore_mem>>
      %dma_start3A_58 = arith.constant 0 : i32
      %dma_start3A_59 = tpu.memref_slice %arg6[%add3A_15, %dma_start3A_58] : memref<10240x144xf32, #tpu.memory_space<vmem_shared>> -> memref<128x144xf32, #tpu.memory_space<vmem_shared>>
      %dma_start3A_60 = arith.constant 0 : i32
      %dma_start3A_61 = tpu.memref_slice %arg6[%add3A_15, %dma_start3A_60] : memref<10240x144xf32, #tpu.memory_space<vmem_shared>> -> memref<128x144xf32, #tpu.memory_space<vmem_shared>>
      tpu.enqueue_dma source(%arg7 : memref<128x144xf32, #tpu.memory_space<vmem>>) target(%dma_start3A_61 : memref<128x144xf32, #tpu.memory_space<vmem_shared>>) target_semaphore(%run_scoped3A : memref<!tpu.dma_semaphore, #tpu.memory_space<semaphore_mem>>)
      %dma_wait3A_62 = arith.constant 0 : i32
      %dma_wait3A_63 = tpu.memref_slice %arg6[%add3A_15, %dma_wait3A_62] : memref<10240x144xf32, #tpu.memory_space<vmem_shared>> -> memref<128x144xf32, #tpu.memory_space<vmem_shared>>
      %dma_wait3A_64 = arith.constant 0 : i32
      %dma_wait3A_65 = tpu.memref_slice %arg6[%add3A_15, %dma_wait3A_64] : memref<10240x144xf32, #tpu.memory_space<vmem_shared>> -> memref<128x144xf32, #tpu.memory_space<vmem_shared>>
      tpu.wait_dma2 semaphore(%run_scoped3A : memref<!tpu.dma_semaphore, #tpu.memory_space<semaphore_mem>>) src(%arg7 : memref<128x144xf32, #tpu.memory_space<vmem>>) dst(%dma_wait3A_65 : memref<128x144xf32, #tpu.memory_space<vmem_shared>>)
      tpu.yield
    }) : () -> ()
    %add3A_16 = arith.constant 512 : i32
    %add3A_17 = arith.addi %mul3A_2, %add3A_16 : i32
    "tpu.region"() ({
      %run_scoped3A = tpu.sem_alloc : memref<!tpu.dma_semaphore, #tpu.memory_space<semaphore_mem>>
      %dma_start3A_58 = arith.constant 0 : i32
      %dma_start3A_59 = tpu.memref_slice %arg6[%add3A_17, %dma_start3A_58] : memref<10240x144xf32, #tpu.memory_space<vmem_shared>> -> memref<128x144xf32, #tpu.memory_space<vmem_shared>>
      %dma_start3A_60 = arith.constant 0 : i32
      %dma_start3A_61 = tpu.memref_slice %arg6[%add3A_17, %dma_start3A_60] : memref<10240x144xf32, #tpu.memory_space<vmem_shared>> -> memref<128x144xf32, #tpu.memory_space<vmem_shared>>
      tpu.enqueue_dma source(%arg7 : memref<128x144xf32, #tpu.memory_space<vmem>>) target(%dma_start3A_61 : memref<128x144xf32, #tpu.memory_space<vmem_shared>>) target_semaphore(%run_scoped3A : memref<!tpu.dma_semaphore, #tpu.memory_space<semaphore_mem>>)
      %dma_wait3A_62 = arith.constant 0 : i32
      %dma_wait3A_63 = tpu.memref_slice %arg6[%add3A_17, %dma_wait3A_62] : memref<10240x144xf32, #tpu.memory_space<vmem_shared>> -> memref<128x144xf32, #tpu.memory_space<vmem_shared>>
      %dma_wait3A_64 = arith.constant 0 : i32
      %dma_wait3A_65 = tpu.memref_slice %arg6[%add3A_17, %dma_wait3A_64] : memref<10240x144xf32, #tpu.memory_space<vmem_shared>> -> memref<128x144xf32, #tpu.memory_space<vmem_shared>>
      tpu.wait_dma2 semaphore(%run_scoped3A : memref<!tpu.dma_semaphore, #tpu.memory_space<semaphore_mem>>) src(%arg7 : memref<128x144xf32, #tpu.memory_space<vmem>>) dst(%dma_wait3A_65 : memref<128x144xf32, #tpu.memory_space<vmem_shared>>)
      tpu.yield
    }) : () -> ()
    %barrier3A = arith.constant 0 : index
    tpu.barrier barrier_id(%barrier3A)
    %mul3A_18 = arith.constant 10240 : i32
    %mul3A_19 = arith.muli %add3A, %mul3A_18 : i32
    %add3A_20 = arith.constant 0 : i32
    %add3A_21 = arith.addi %mul3A_19, %add3A_20 : i32
    %dma_start3A = tpu.memref_slice %arg3[%add3A_21] : memref<327680xi32, #tpu.memory_space<hbm>> -> memref<128xi32, #tpu.memory_space<hbm>>
    %dma_start3A_22 = tpu.memref_slice %arg3[%add3A_21] : memref<327680xi32, #tpu.memory_space<hbm>> -> memref<128xi32, #tpu.memory_space<hbm>>
    tpu.enqueue_dma source(%dma_start3A_22 : memref<128xi32, #tpu.memory_space<hbm>>) target(%arg9 : memref<128xi32, #tpu.memory_space<vmem>>) target_semaphore(%arg13 : memref<!tpu.dma_semaphore, #tpu.memory_space<semaphore_mem>>)
    %dma_start3A_23 = tpu.memref_slice %arg4[%add3A_21] : memref<327680xi32, #tpu.memory_space<hbm>> -> memref<128xi32, #tpu.memory_space<hbm>>
    %dma_start3A_24 = tpu.memref_slice %arg4[%add3A_21] : memref<327680xi32, #tpu.memory_space<hbm>> -> memref<128xi32, #tpu.memory_space<hbm>>
    tpu.enqueue_dma source(%dma_start3A_24 : memref<128xi32, #tpu.memory_space<hbm>>) target(%arg10 : memref<128xi32, #tpu.memory_space<vmem>>) target_semaphore(%arg13 : memref<!tpu.dma_semaphore, #tpu.memory_space<semaphore_mem>>)
    %dma_wait3A = arith.constant 0 : i32
    %dma_wait3A_25 = tpu.memref_slice %arg3[%dma_wait3A] : memref<327680xi32, #tpu.memory_space<hbm>> -> memref<128xi32, #tpu.memory_space<hbm>>
    %dma_wait3A_26 = arith.constant 0 : i32
    %dma_wait3A_27 = tpu.memref_slice %arg3[%dma_wait3A_26] : memref<327680xi32, #tpu.memory_space<hbm>> -> memref<128xi32, #tpu.memory_space<hbm>>
    tpu.wait_dma2 semaphore(%arg13 : memref<!tpu.dma_semaphore, #tpu.memory_space<semaphore_mem>>) src(%dma_wait3A_27 : memref<128xi32, #tpu.memory_space<hbm>>) dst(%arg9 : memref<128xi32, #tpu.memory_space<vmem>>)
    %dma_wait3A_28 = arith.constant 0 : i32
    %dma_wait3A_29 = tpu.memref_slice %arg4[%dma_wait3A_28] : memref<327680xi32, #tpu.memory_space<hbm>> -> memref<128xi32, #tpu.memory_space<hbm>>
    %dma_wait3A_30 = arith.constant 0 : i32
    %dma_wait3A_31 = tpu.memref_slice %arg4[%dma_wait3A_30] : memref<327680xi32, #tpu.memory_space<hbm>> -> memref<128xi32, #tpu.memory_space<hbm>>
    tpu.wait_dma2 semaphore(%arg13 : memref<!tpu.dma_semaphore, #tpu.memory_space<semaphore_mem>>) src(%dma_wait3A_31 : memref<128xi32, #tpu.memory_space<hbm>>) dst(%arg10 : memref<128xi32, #tpu.memory_space<vmem>>)
    %dma_start3A_32 = arith.constant 0 : i32
    %dma_start3A_33 = arith.constant 0 : i32
    %dma_start3A_34 = tpu.memref_slice %arg2[%dma_start3A_32, %dma_start3A_33] : memref<10240x144xf32, #tpu.memory_space<hbm>> -> memref<10240x144xf32, #tpu.memory_space<hbm>>
    tpu.enqueue_indirect_dma source(%dma_start3A_34 : memref<10240x144xf32, #tpu.memory_space<hbm>>) target(%arg7 : memref<128x144xf32, #tpu.memory_space<vmem>>) offsets(%arg9 : memref<128xi32, #tpu.memory_space<vmem>>) semaphore(%arg15 : memref<!tpu.dma_semaphore, #tpu.memory_space<semaphore_mem>>)
    %add3A_35 = arith.constant 128 : i32
    %add3A_36 = arith.addi %mul3A_19, %add3A_35 : i32
    %dma_start3A_37 = tpu.memref_slice %arg3[%add3A_36] : memref<327680xi32, #tpu.memory_space<hbm>> -> memref<128xi32, #tpu.memory_space<hbm>>
    %dma_start3A_38 = tpu.memref_slice %arg3[%add3A_36] : memref<327680xi32, #tpu.memory_space<hbm>> -> memref<128xi32, #tpu.memory_space<hbm>>
    tpu.enqueue_dma source(%dma_start3A_38 : memref<128xi32, #tpu.memory_space<hbm>>) target(%arg11 : memref<128xi32, #tpu.memory_space<vmem>>) target_semaphore(%arg14 : memref<!tpu.dma_semaphore, #tpu.memory_space<semaphore_mem>>)
    %dma_start3A_39 = tpu.memref_slice %arg4[%add3A_36] : memref<327680xi32, #tpu.memory_space<hbm>> -> memref<128xi32, #tpu.memory_space<hbm>>
    %dma_start3A_40 = tpu.memref_slice %arg4[%add3A_36] : memref<327680xi32, #tpu.memory_space<hbm>> -> memref<128xi32, #tpu.memory_space<hbm>>
    tpu.enqueue_dma source(%dma_start3A_40 : memref<128xi32, #tpu.memory_space<hbm>>) target(%arg12 : memref<128xi32, #tpu.memory_space<vmem>>) target_semaphore(%arg14 : memref<!tpu.dma_semaphore, #tpu.memory_space<semaphore_mem>>)
    %scan3A_41 = arith.constant 0 : i32
    %scan3A_42 = arith.constant 0 : i32
    %scan3A_43 = arith.constant 40 : i32
    %scan3A_44 = arith.addi %scan3A_42, %scan3A_43 : i32
    %scan3A_45 = arith.constant 1 : i32
    scf.for %scan3A_58 = %scan3A_42 to %scan3A_44 step %scan3A_45  : i32 {
      %dma_wait3A_59 = arith.constant 0 : i32
      %dma_wait3A_60 = tpu.memref_slice %arg3[%dma_wait3A_59] : memref<327680xi32, #tpu.memory_space<hbm>> -> memref<128xi32, #tpu.memory_space<hbm>>
      %dma_wait3A_61 = arith.constant 0 : i32
      %dma_wait3A_62 = tpu.memref_slice %arg3[%dma_wait3A_61] : memref<327680xi32, #tpu.memory_space<hbm>> -> memref<128xi32, #tpu.memory_space<hbm>>
      tpu.wait_dma2 semaphore(%arg14 : memref<!tpu.dma_semaphore, #tpu.memory_space<semaphore_mem>>) src(%dma_wait3A_62 : memref<128xi32, #tpu.memory_space<hbm>>) dst(%arg11 : memref<128xi32, #tpu.memory_space<vmem>>)
      %dma_wait3A_63 = arith.constant 0 : i32
      %dma_wait3A_64 = tpu.memref_slice %arg4[%dma_wait3A_63] : memref<327680xi32, #tpu.memory_space<hbm>> -> memref<128xi32, #tpu.memory_space<hbm>>
      %dma_wait3A_65 = arith.constant 0 : i32
      %dma_wait3A_66 = tpu.memref_slice %arg4[%dma_wait3A_65] : memref<327680xi32, #tpu.memory_space<hbm>> -> memref<128xi32, #tpu.memory_space<hbm>>
      tpu.wait_dma2 semaphore(%arg14 : memref<!tpu.dma_semaphore, #tpu.memory_space<semaphore_mem>>) src(%dma_wait3A_66 : memref<128xi32, #tpu.memory_space<hbm>>) dst(%arg12 : memref<128xi32, #tpu.memory_space<vmem>>)
      %dma_wait3A_67 = arith.constant 0 : i32
      %dma_wait3A_68 = arith.constant 0 : i32
      %dma_wait3A_69 = tpu.memref_slice %arg2[%dma_wait3A_67, %dma_wait3A_68] : memref<10240x144xf32, #tpu.memory_space<hbm>> -> memref<10240x144xf32, #tpu.memory_space<hbm>>
      tpu.wait_indirect_dma semaphore(%arg15 : memref<!tpu.dma_semaphore, #tpu.memory_space<semaphore_mem>>) src(%dma_wait3A_69 : memref<10240x144xf32, #tpu.memory_space<hbm>>) dst(%arg7 : memref<128x144xf32, #tpu.memory_space<vmem>>)
      %dma_start3A_70 = arith.constant 0 : i32
      %dma_start3A_71 = arith.constant 0 : i32
      %dma_start3A_72 = tpu.memref_slice %arg2[%dma_start3A_70, %dma_start3A_71] : memref<10240x144xf32, #tpu.memory_space<hbm>> -> memref<10240x144xf32, #tpu.memory_space<hbm>>
      tpu.enqueue_indirect_dma source(%dma_start3A_72 : memref<10240x144xf32, #tpu.memory_space<hbm>>) target(%arg8 : memref<128x144xf32, #tpu.memory_space<vmem>>) offsets(%arg11 : memref<128xi32, #tpu.memory_space<vmem>>) semaphore(%arg16 : memref<!tpu.dma_semaphore, #tpu.memory_space<semaphore_mem>>)
      "tpu.region"() ({
        %run_scoped3A = tpu.sem_alloc : memref<!tpu.dma_semaphore, #tpu.memory_space<semaphore_mem>>
        %dma_start3A_88 = arith.constant 0 : i32
        %dma_start3A_89 = arith.constant 0 : i32
        %dma_start3A_90 = tpu.memref_slice %arg6[%dma_start3A_88, %dma_start3A_89] : memref<10240x144xf32, #tpu.memory_space<vmem_shared>> -> memref<10240x144xf32, #tpu.memory_space<vmem_shared>>
        tpu.enqueue_indirect_dma source(%arg7 : memref<128x144xf32, #tpu.memory_space<vmem>>) target(%dma_start3A_90 : memref<10240x144xf32, #tpu.memory_space<vmem_shared>>) offsets(%arg10 : memref<128xi32, #tpu.memory_space<vmem>>) semaphore(%run_scoped3A : memref<!tpu.dma_semaphore, #tpu.memory_space<semaphore_mem>>) {add = true}
        %dma_wait3A_91 = arith.constant 0 : i32
        %dma_wait3A_92 = arith.constant 0 : i32
        %dma_wait3A_93 = tpu.memref_slice %arg6[%dma_wait3A_91, %dma_wait3A_92] : memref<10240x144xf32, #tpu.memory_space<vmem_shared>> -> memref<10240x144xf32, #tpu.memory_space<vmem_shared>>
        tpu.wait_indirect_dma semaphore(%run_scoped3A : memref<!tpu.dma_semaphore, #tpu.memory_space<semaphore_mem>>) src(%arg7 : memref<128x144xf32, #tpu.memory_space<vmem>>) dst(%dma_wait3A_93 : memref<10240x144xf32, #tpu.memory_space<vmem_shared>>)
        tpu.yield
      }) : () -> ()
      %lt3A = arith.constant 39 : i32
      %lt3A_73 = arith.cmpi slt, %scan3A_58, %lt3A : i32
      %convert_element_type3A = arith.extui %lt3A_73 : i1 to i32
      %cond3A = arith.constant 0 : i32
      %cond3A_74 = arith.cmpi ne, %convert_element_type3A, %cond3A : i32
      scf.if %cond3A_74 {
        %mul3A_88 = arith.constant 2 : i32
        %mul3A_89 = arith.muli %mul3A_88, %scan3A_58 : i32
        %add3A_90 = arith.constant 2 : i32
        %add3A_91 = arith.addi %mul3A_89, %add3A_90 : i32
        %mul3A_92 = arith.constant 128 : i32
        %mul3A_93 = arith.muli %add3A_91, %mul3A_92 : i32
        %add3A_94 = arith.addi %mul3A_19, %mul3A_93 : i32
        %dma_start3A_95 = tpu.memref_slice %arg3[%add3A_94] : memref<327680xi32, #tpu.memory_space<hbm>> -> memref<128xi32, #tpu.memory_space<hbm>>
        %dma_start3A_96 = tpu.memref_slice %arg3[%add3A_94] : memref<327680xi32, #tpu.memory_space<hbm>> -> memref<128xi32, #tpu.memory_space<hbm>>
        tpu.enqueue_dma source(%dma_start3A_96 : memref<128xi32, #tpu.memory_space<hbm>>) target(%arg9 : memref<128xi32, #tpu.memory_space<vmem>>) target_semaphore(%arg13 : memref<!tpu.dma_semaphore, #tpu.memory_space<semaphore_mem>>)
        %dma_start3A_97 = tpu.memref_slice %arg4[%add3A_94] : memref<327680xi32, #tpu.memory_space<hbm>> -> memref<128xi32, #tpu.memory_space<hbm>>
        %dma_start3A_98 = tpu.memref_slice %arg4[%add3A_94] : memref<327680xi32, #tpu.memory_space<hbm>> -> memref<128xi32, #tpu.memory_space<hbm>>
        tpu.enqueue_dma source(%dma_start3A_98 : memref<128xi32, #tpu.memory_space<hbm>>) target(%arg10 : memref<128xi32, #tpu.memory_space<vmem>>) target_semaphore(%arg13 : memref<!tpu.dma_semaphore, #tpu.memory_space<semaphore_mem>>)
      } else {
      }
      %dma_wait3A_75 = arith.constant 0 : i32
      %dma_wait3A_76 = arith.constant 0 : i32
      %dma_wait3A_77 = tpu.memref_slice %arg2[%dma_wait3A_75, %dma_wait3A_76] : memref<10240x144xf32, #tpu.memory_space<hbm>> -> memref<10240x144xf32, #tpu.memory_space<hbm>>
      tpu.wait_indirect_dma semaphore(%arg16 : memref<!tpu.dma_semaphore, #tpu.memory_space<semaphore_mem>>) src(%dma_wait3A_77 : memref<10240x144xf32, #tpu.memory_space<hbm>>) dst(%arg8 : memref<128x144xf32, #tpu.memory_space<vmem>>)
      %lt3A_78 = arith.constant 39 : i32
      %lt3A_79 = arith.cmpi slt, %scan3A_58, %lt3A_78 : i32
      %convert_element_type3A_80 = arith.extui %lt3A_79 : i1 to i32
      %cond3A_81 = arith.constant 0 : i32
      %cond3A_82 = arith.cmpi ne, %convert_element_type3A_80, %cond3A_81 : i32
      scf.if %cond3A_82 {
        %dma_wait3A_88 = arith.constant 0 : i32
        %dma_wait3A_89 = tpu.memref_slice %arg3[%dma_wait3A_88] : memref<327680xi32, #tpu.memory_space<hbm>> -> memref<128xi32, #tpu.memory_space<hbm>>
        %dma_wait3A_90 = arith.constant 0 : i32
        %dma_wait3A_91 = tpu.memref_slice %arg3[%dma_wait3A_90] : memref<327680xi32, #tpu.memory_space<hbm>> -> memref<128xi32, #tpu.memory_space<hbm>>
        tpu.wait_dma2 semaphore(%arg13 : memref<!tpu.dma_semaphore, #tpu.memory_space<semaphore_mem>>) src(%dma_wait3A_91 : memref<128xi32, #tpu.memory_space<hbm>>) dst(%arg9 : memref<128xi32, #tpu.memory_space<vmem>>)
        %dma_wait3A_92 = arith.constant 0 : i32
        %dma_wait3A_93 = tpu.memref_slice %arg4[%dma_wait3A_92] : memref<327680xi32, #tpu.memory_space<hbm>> -> memref<128xi32, #tpu.memory_space<hbm>>
        %dma_wait3A_94 = arith.constant 0 : i32
        %dma_wait3A_95 = tpu.memref_slice %arg4[%dma_wait3A_94] : memref<327680xi32, #tpu.memory_space<hbm>> -> memref<128xi32, #tpu.memory_space<hbm>>
        tpu.wait_dma2 semaphore(%arg13 : memref<!tpu.dma_semaphore, #tpu.memory_space<semaphore_mem>>) src(%dma_wait3A_95 : memref<128xi32, #tpu.memory_space<hbm>>) dst(%arg10 : memref<128xi32, #tpu.memory_space<vmem>>)
        %dma_start3A_96 = arith.constant 0 : i32
        %dma_start3A_97 = arith.constant 0 : i32
        %dma_start3A_98 = tpu.memref_slice %arg2[%dma_start3A_96, %dma_start3A_97] : memref<10240x144xf32, #tpu.memory_space<hbm>> -> memref<10240x144xf32, #tpu.memory_space<hbm>>
        tpu.enqueue_indirect_dma source(%dma_start3A_98 : memref<10240x144xf32, #tpu.memory_space<hbm>>) target(%arg7 : memref<128x144xf32, #tpu.memory_space<vmem>>) offsets(%arg9 : memref<128xi32, #tpu.memory_space<vmem>>) semaphore(%arg15 : memref<!tpu.dma_semaphore, #tpu.memory_space<semaphore_mem>>)
      } else {
      }
      "tpu.region"() ({
        %run_scoped3A = tpu.sem_alloc : memref<!tpu.dma_semaphore, #tpu.memory_space<semaphore_mem>>
        %dma_start3A_88 = arith.constant 0 : i32
        %dma_start3A_89 = arith.constant 0 : i32
        %dma_start3A_90 = tpu.memref_slice %arg6[%dma_start3A_88, %dma_start3A_89] : memref<10240x144xf32, #tpu.memory_space<vmem_shared>> -> memref<10240x144xf32, #tpu.memory_space<vmem_shared>>
        tpu.enqueue_indirect_dma source(%arg8 : memref<128x144xf32, #tpu.memory_space<vmem>>) target(%dma_start3A_90 : memref<10240x144xf32, #tpu.memory_space<vmem_shared>>) offsets(%arg12 : memref<128xi32, #tpu.memory_space<vmem>>) semaphore(%run_scoped3A : memref<!tpu.dma_semaphore, #tpu.memory_space<semaphore_mem>>) {add = true}
        %dma_wait3A_91 = arith.constant 0 : i32
        %dma_wait3A_92 = arith.constant 0 : i32
        %dma_wait3A_93 = tpu.memref_slice %arg6[%dma_wait3A_91, %dma_wait3A_92] : memref<10240x144xf32, #tpu.memory_space<vmem_shared>> -> memref<10240x144xf32, #tpu.memory_space<vmem_shared>>
        tpu.wait_indirect_dma semaphore(%run_scoped3A : memref<!tpu.dma_semaphore, #tpu.memory_space<semaphore_mem>>) src(%arg8 : memref<128x144xf32, #tpu.memory_space<vmem>>) dst(%dma_wait3A_93 : memref<10240x144xf32, #tpu.memory_space<vmem_shared>>)
        tpu.yield
      }) : () -> ()
      %lt3A_83 = arith.constant 39 : i32
      %lt3A_84 = arith.cmpi slt, %scan3A_58, %lt3A_83 : i32
      %convert_element_type3A_85 = arith.extui %lt3A_84 : i1 to i32
      %cond3A_86 = arith.constant 0 : i32
      %cond3A_87 = arith.cmpi ne, %convert_element_type3A_85, %cond3A_86 : i32
      scf.if %cond3A_87 {
        %mul3A_88 = arith.constant 2 : i32
        %mul3A_89 = arith.muli %mul3A_88, %scan3A_58 : i32
        %add3A_90 = arith.constant 3 : i32
        %add3A_91 = arith.addi %mul3A_89, %add3A_90 : i32
        %mul3A_92 = arith.constant 128 : i32
        %mul3A_93 = arith.muli %add3A_91, %mul3A_92 : i32
        %add3A_94 = arith.addi %mul3A_19, %mul3A_93 : i32
        %dma_start3A_95 = tpu.memref_slice %arg3[%add3A_94] : memref<327680xi32, #tpu.memory_space<hbm>> -> memref<128xi32, #tpu.memory_space<hbm>>
        %dma_start3A_96 = tpu.memref_slice %arg3[%add3A_94] : memref<327680xi32, #tpu.memory_space<hbm>> -> memref<128xi32, #tpu.memory_space<hbm>>
        tpu.enqueue_dma source(%dma_start3A_96 : memref<128xi32, #tpu.memory_space<hbm>>) target(%arg11 : memref<128xi32, #tpu.memory_space<vmem>>) target_semaphore(%arg14 : memref<!tpu.dma_semaphore, #tpu.memory_space<semaphore_mem>>)
        %dma_start3A_97 = tpu.memref_slice %arg4[%add3A_94] : memref<327680xi32, #tpu.memory_space<hbm>> -> memref<128xi32, #tpu.memory_space<hbm>>
        %dma_start3A_98 = tpu.memref_slice %arg4[%add3A_94] : memref<327680xi32, #tpu.memory_space<hbm>> -> memref<128xi32, #tpu.memory_space<hbm>>
        tpu.enqueue_dma source(%dma_start3A_98 : memref<128xi32, #tpu.memory_space<hbm>>) target(%arg12 : memref<128xi32, #tpu.memory_space<vmem>>) target_semaphore(%arg14 : memref<!tpu.dma_semaphore, #tpu.memory_space<semaphore_mem>>)
      } else {
      }
    }
    %scan3A_46 = arith.constant 40 : i32
    %barrier3A_47 = arith.constant 0 : index
    tpu.barrier barrier_id(%barrier3A_47)
    %add3A_48 = arith.constant 0 : i32
    %add3A_49 = arith.addi %mul3A_2, %add3A_48 : i32
    "tpu.region"() ({
      %run_scoped3A = tpu.sem_alloc : memref<!tpu.dma_semaphore, #tpu.memory_space<semaphore_mem>>
      %dma_start3A_58 = arith.constant 0 : i32
      %dma_start3A_59 = tpu.memref_slice %arg6[%add3A_49, %dma_start3A_58] : memref<10240x144xf32, #tpu.memory_space<vmem_shared>> -> memref<128x144xf32, #tpu.memory_space<vmem_shared>>
      %dma_start3A_60 = arith.constant 0 : i32
      %dma_start3A_61 = tpu.memref_slice %arg6[%add3A_49, %dma_start3A_60] : memref<10240x144xf32, #tpu.memory_space<vmem_shared>> -> memref<128x144xf32, #tpu.memory_space<vmem_shared>>
      tpu.enqueue_dma source(%dma_start3A_61 : memref<128x144xf32, #tpu.memory_space<vmem_shared>>) target(%arg7 : memref<128x144xf32, #tpu.memory_space<vmem>>) target_semaphore(%run_scoped3A : memref<!tpu.dma_semaphore, #tpu.memory_space<semaphore_mem>>)
      %dma_wait3A_62 = arith.constant 0 : i32
      %dma_wait3A_63 = tpu.memref_slice %arg6[%add3A_49, %dma_wait3A_62] : memref<10240x144xf32, #tpu.memory_space<vmem_shared>> -> memref<128x144xf32, #tpu.memory_space<vmem_shared>>
      %dma_wait3A_64 = arith.constant 0 : i32
      %dma_wait3A_65 = tpu.memref_slice %arg6[%add3A_49, %dma_wait3A_64] : memref<10240x144xf32, #tpu.memory_space<vmem_shared>> -> memref<128x144xf32, #tpu.memory_space<vmem_shared>>
      tpu.wait_dma2 semaphore(%run_scoped3A : memref<!tpu.dma_semaphore, #tpu.memory_space<semaphore_mem>>) src(%dma_wait3A_65 : memref<128x144xf32, #tpu.memory_space<vmem_shared>>) dst(%arg7 : memref<128x144xf32, #tpu.memory_space<vmem>>)
      tpu.yield
    }) : () -> ()
    "tpu.region"() ({
      %run_scoped3A = tpu.sem_alloc : memref<!tpu.dma_semaphore, #tpu.memory_space<semaphore_mem>>
      %dma_start3A_58 = arith.constant 0 : i32
      %dma_start3A_59 = tpu.memref_slice %arg5[%arg0, %add3A_49, %dma_start3A_58] : memref<2x10240x144xf32, #tpu.memory_space<hbm>> -> memref<1x128x144xf32, #tpu.memory_space<hbm>>
      %dma_start3A_60 = tpu.memref_squeeze %dma_start3A_59 : memref<1x128x144xf32, #tpu.memory_space<hbm>> -> memref<128x144xf32, #tpu.memory_space<hbm>>
      %dma_start3A_61 = arith.constant 0 : i32
      %dma_start3A_62 = tpu.memref_slice %arg5[%arg0, %add3A_49, %dma_start3A_61] : memref<2x10240x144xf32, #tpu.memory_space<hbm>> -> memref<1x128x144xf32, #tpu.memory_space<hbm>>
      %dma_start3A_63 = tpu.memref_squeeze %dma_start3A_62 : memref<1x128x144xf32, #tpu.memory_space<hbm>> -> memref<128x144xf32, #tpu.memory_space<hbm>>
      tpu.enqueue_dma source(%arg7 : memref<128x144xf32, #tpu.memory_space<vmem>>) target(%dma_start3A_63 : memref<128x144xf32, #tpu.memory_space<hbm>>) target_semaphore(%run_scoped3A : memref<!tpu.dma_semaphore, #tpu.memory_space<semaphore_mem>>)
      %dma_wait3A_64 = arith.constant 0 : i32
      %dma_wait3A_65 = tpu.memref_slice %arg5[%arg0, %add3A_49, %dma_wait3A_64] : memref<2x10240x144xf32, #tpu.memory_space<hbm>> -> memref<1x128x144xf32, #tpu.memory_space<hbm>>
      %dma_wait3A_66 = tpu.memref_squeeze %dma_wait3A_65 : memref<1x128x144xf32, #tpu.memory_space<hbm>> -> memref<128x144xf32, #tpu.memory_space<hbm>>
      %dma_wait3A_67 = arith.constant 0 : i32
      %dma_wait3A_68 = tpu.memref_slice %arg5[%arg0, %add3A_49, %dma_wait3A_67] : memref<2x10240x144xf32, #tpu.memory_space<hbm>> -> memref<1x128x144xf32, #tpu.memory_space<hbm>>
      %dma_wait3A_69 = tpu.memref_squeeze %dma_wait3A_68 : memref<1x128x144xf32, #tpu.memory_space<hbm>> -> memref<128x144xf32, #tpu.memory_space<hbm>>
      tpu.wait_dma2 semaphore(%run_scoped3A : memref<!tpu.dma_semaphore, #tpu.memory_space<semaphore_mem>>) src(%arg7 : memref<128x144xf32, #tpu.memory_space<vmem>>) dst(%dma_wait3A_69 : memref<128x144xf32, #tpu.memory_space<hbm>>)
      tpu.yield
    }) : () -> ()
    %add3A_50 = arith.constant 128 : i32
    %add3A_51 = arith.addi %mul3A_2, %add3A_50 : i32
    "tpu.region"() ({
      %run_scoped3A = tpu.sem_alloc : memref<!tpu.dma_semaphore, #tpu.memory_space<semaphore_mem>>
      %dma_start3A_58 = arith.constant 0 : i32
      %dma_start3A_59 = tpu.memref_slice %arg6[%add3A_51, %dma_start3A_58] : memref<10240x144xf32, #tpu.memory_space<vmem_shared>> -> memref<128x144xf32, #tpu.memory_space<vmem_shared>>
      %dma_start3A_60 = arith.constant 0 : i32
      %dma_start3A_61 = tpu.memref_slice %arg6[%add3A_51, %dma_start3A_60] : memref<10240x144xf32, #tpu.memory_space<vmem_shared>> -> memref<128x144xf32, #tpu.memory_space<vmem_shared>>
      tpu.enqueue_dma source(%dma_start3A_61 : memref<128x144xf32, #tpu.memory_space<vmem_shared>>) target(%arg7 : memref<128x144xf32, #tpu.memory_space<vmem>>) target_semaphore(%run_scoped3A : memref<!tpu.dma_semaphore, #tpu.memory_space<semaphore_mem>>)
      %dma_wait3A_62 = arith.constant 0 : i32
      %dma_wait3A_63 = tpu.memref_slice %arg6[%add3A_51, %dma_wait3A_62] : memref<10240x144xf32, #tpu.memory_space<vmem_shared>> -> memref<128x144xf32, #tpu.memory_space<vmem_shared>>
      %dma_wait3A_64 = arith.constant 0 : i32
      %dma_wait3A_65 = tpu.memref_slice %arg6[%add3A_51, %dma_wait3A_64] : memref<10240x144xf32, #tpu.memory_space<vmem_shared>> -> memref<128x144xf32, #tpu.memory_space<vmem_shared>>
      tpu.wait_dma2 semaphore(%run_scoped3A : memref<!tpu.dma_semaphore, #tpu.memory_space<semaphore_mem>>) src(%dma_wait3A_65 : memref<128x144xf32, #tpu.memory_space<vmem_shared>>) dst(%arg7 : memref<128x144xf32, #tpu.memory_space<vmem>>)
      tpu.yield
    }) : () -> ()
    "tpu.region"() ({
      %run_scoped3A = tpu.sem_alloc : memref<!tpu.dma_semaphore, #tpu.memory_space<semaphore_mem>>
      %dma_start3A_58 = arith.constant 0 : i32
      %dma_start3A_59 = tpu.memref_slice %arg5[%arg0, %add3A_51, %dma_start3A_58] : memref<2x10240x144xf32, #tpu.memory_space<hbm>> -> memref<1x128x144xf32, #tpu.memory_space<hbm>>
      %dma_start3A_60 = tpu.memref_squeeze %dma_start3A_59 : memref<1x128x144xf32, #tpu.memory_space<hbm>> -> memref<128x144xf32, #tpu.memory_space<hbm>>
      %dma_start3A_61 = arith.constant 0 : i32
      %dma_start3A_62 = tpu.memref_slice %arg5[%arg0, %add3A_51, %dma_start3A_61] : memref<2x10240x144xf32, #tpu.memory_space<hbm>> -> memref<1x128x144xf32, #tpu.memory_space<hbm>>
      %dma_start3A_63 = tpu.memref_squeeze %dma_start3A_62 : memref<1x128x144xf32, #tpu.memory_space<hbm>> -> memref<128x144xf32, #tpu.memory_space<hbm>>
      tpu.enqueue_dma source(%arg7 : memref<128x144xf32, #tpu.memory_space<vmem>>) target(%dma_start3A_63 : memref<128x144xf32, #tpu.memory_space<hbm>>) target_semaphore(%run_scoped3A : memref<!tpu.dma_semaphore, #tpu.memory_space<semaphore_mem>>)
      %dma_wait3A_64 = arith.constant 0 : i32
      %dma_wait3A_65 = tpu.memref_slice %arg5[%arg0, %add3A_51, %dma_wait3A_64] : memref<2x10240x144xf32, #tpu.memory_space<hbm>> -> memref<1x128x144xf32, #tpu.memory_space<hbm>>
      %dma_wait3A_66 = tpu.memref_squeeze %dma_wait3A_65 : memref<1x128x144xf32, #tpu.memory_space<hbm>> -> memref<128x144xf32, #tpu.memory_space<hbm>>
      %dma_wait3A_67 = arith.constant 0 : i32
      %dma_wait3A_68 = tpu.memref_slice %arg5[%arg0, %add3A_51, %dma_wait3A_67] : memref<2x10240x144xf32, #tpu.memory_space<hbm>> -> memref<1x128x144xf32, #tpu.memory_space<hbm>>
      %dma_wait3A_69 = tpu.memref_squeeze %dma_wait3A_68 : memref<1x128x144xf32, #tpu.memory_space<hbm>> -> memref<128x144xf32, #tpu.memory_space<hbm>>
      tpu.wait_dma2 semaphore(%run_scoped3A : memref<!tpu.dma_semaphore, #tpu.memory_space<semaphore_mem>>) src(%arg7 : memref<128x144xf32, #tpu.memory_space<vmem>>) dst(%dma_wait3A_69 : memref<128x144xf32, #tpu.memory_space<hbm>>)
      tpu.yield
    }) : () -> ()
    %add3A_52 = arith.constant 256 : i32
    %add3A_53 = arith.addi %mul3A_2, %add3A_52 : i32
    "tpu.region"() ({
      %run_scoped3A = tpu.sem_alloc : memref<!tpu.dma_semaphore, #tpu.memory_space<semaphore_mem>>
      %dma_start3A_58 = arith.constant 0 : i32
      %dma_start3A_59 = tpu.memref_slice %arg6[%add3A_53, %dma_start3A_58] : memref<10240x144xf32, #tpu.memory_space<vmem_shared>> -> memref<128x144xf32, #tpu.memory_space<vmem_shared>>
      %dma_start3A_60 = arith.constant 0 : i32
      %dma_start3A_61 = tpu.memref_slice %arg6[%add3A_53, %dma_start3A_60] : memref<10240x144xf32, #tpu.memory_space<vmem_shared>> -> memref<128x144xf32, #tpu.memory_space<vmem_shared>>
      tpu.enqueue_dma source(%dma_start3A_61 : memref<128x144xf32, #tpu.memory_space<vmem_shared>>) target(%arg7 : memref<128x144xf32, #tpu.memory_space<vmem>>) target_semaphore(%run_scoped3A : memref<!tpu.dma_semaphore, #tpu.memory_space<semaphore_mem>>)
      %dma_wait3A_62 = arith.constant 0 : i32
      %dma_wait3A_63 = tpu.memref_slice %arg6[%add3A_53, %dma_wait3A_62] : memref<10240x144xf32, #tpu.memory_space<vmem_shared>> -> memref<128x144xf32, #tpu.memory_space<vmem_shared>>
      %dma_wait3A_64 = arith.constant 0 : i32
      %dma_wait3A_65 = tpu.memref_slice %arg6[%add3A_53, %dma_wait3A_64] : memref<10240x144xf32, #tpu.memory_space<vmem_shared>> -> memref<128x144xf32, #tpu.memory_space<vmem_shared>>
      tpu.wait_dma2 semaphore(%run_scoped3A : memref<!tpu.dma_semaphore, #tpu.memory_space<semaphore_mem>>) src(%dma_wait3A_65 : memref<128x144xf32, #tpu.memory_space<vmem_shared>>) dst(%arg7 : memref<128x144xf32, #tpu.memory_space<vmem>>)
      tpu.yield
    }) : () -> ()
    "tpu.region"() ({
      %run_scoped3A = tpu.sem_alloc : memref<!tpu.dma_semaphore, #tpu.memory_space<semaphore_mem>>
      %dma_start3A_58 = arith.constant 0 : i32
      %dma_start3A_59 = tpu.memref_slice %arg5[%arg0, %add3A_53, %dma_start3A_58] : memref<2x10240x144xf32, #tpu.memory_space<hbm>> -> memref<1x128x144xf32, #tpu.memory_space<hbm>>
      %dma_start3A_60 = tpu.memref_squeeze %dma_start3A_59 : memref<1x128x144xf32, #tpu.memory_space<hbm>> -> memref<128x144xf32, #tpu.memory_space<hbm>>
      %dma_start3A_61 = arith.constant 0 : i32
      %dma_start3A_62 = tpu.memref_slice %arg5[%arg0, %add3A_53, %dma_start3A_61] : memref<2x10240x144xf32, #tpu.memory_space<hbm>> -> memref<1x128x144xf32, #tpu.memory_space<hbm>>
      %dma_start3A_63 = tpu.memref_squeeze %dma_start3A_62 : memref<1x128x144xf32, #tpu.memory_space<hbm>> -> memref<128x144xf32, #tpu.memory_space<hbm>>
      tpu.enqueue_dma source(%arg7 : memref<128x144xf32, #tpu.memory_space<vmem>>) target(%dma_start3A_63 : memref<128x144xf32, #tpu.memory_space<hbm>>) target_semaphore(%run_scoped3A : memref<!tpu.dma_semaphore, #tpu.memory_space<semaphore_mem>>)
      %dma_wait3A_64 = arith.constant 0 : i32
      %dma_wait3A_65 = tpu.memref_slice %arg5[%arg0, %add3A_53, %dma_wait3A_64] : memref<2x10240x144xf32, #tpu.memory_space<hbm>> -> memref<1x128x144xf32, #tpu.memory_space<hbm>>
      %dma_wait3A_66 = tpu.memref_squeeze %dma_wait3A_65 : memref<1x128x144xf32, #tpu.memory_space<hbm>> -> memref<128x144xf32, #tpu.memory_space<hbm>>
      %dma_wait3A_67 = arith.constant 0 : i32
      %dma_wait3A_68 = tpu.memref_slice %arg5[%arg0, %add3A_53, %dma_wait3A_67] : memref<2x10240x144xf32, #tpu.memory_space<hbm>> -> memref<1x128x144xf32, #tpu.memory_space<hbm>>
      %dma_wait3A_69 = tpu.memref_squeeze %dma_wait3A_68 : memref<1x128x144xf32, #tpu.memory_space<hbm>> -> memref<128x144xf32, #tpu.memory_space<hbm>>
      tpu.wait_dma2 semaphore(%run_scoped3A : memref<!tpu.dma_semaphore, #tpu.memory_space<semaphore_mem>>) src(%arg7 : memref<128x144xf32, #tpu.memory_space<vmem>>) dst(%dma_wait3A_69 : memref<128x144xf32, #tpu.memory_space<hbm>>)
      tpu.yield
    }) : () -> ()
    %add3A_54 = arith.constant 384 : i32
    %add3A_55 = arith.addi %mul3A_2, %add3A_54 : i32
    "tpu.region"() ({
      %run_scoped3A = tpu.sem_alloc : memref<!tpu.dma_semaphore, #tpu.memory_space<semaphore_mem>>
      %dma_start3A_58 = arith.constant 0 : i32
      %dma_start3A_59 = tpu.memref_slice %arg6[%add3A_55, %dma_start3A_58] : memref<10240x144xf32, #tpu.memory_space<vmem_shared>> -> memref<128x144xf32, #tpu.memory_space<vmem_shared>>
      %dma_start3A_60 = arith.constant 0 : i32
      %dma_start3A_61 = tpu.memref_slice %arg6[%add3A_55, %dma_start3A_60] : memref<10240x144xf32, #tpu.memory_space<vmem_shared>> -> memref<128x144xf32, #tpu.memory_space<vmem_shared>>
      tpu.enqueue_dma source(%dma_start3A_61 : memref<128x144xf32, #tpu.memory_space<vmem_shared>>) target(%arg7 : memref<128x144xf32, #tpu.memory_space<vmem>>) target_semaphore(%run_scoped3A : memref<!tpu.dma_semaphore, #tpu.memory_space<semaphore_mem>>)
      %dma_wait3A_62 = arith.constant 0 : i32
      %dma_wait3A_63 = tpu.memref_slice %arg6[%add3A_55, %dma_wait3A_62] : memref<10240x144xf32, #tpu.memory_space<vmem_shared>> -> memref<128x144xf32, #tpu.memory_space<vmem_shared>>
      %dma_wait3A_64 = arith.constant 0 : i32
      %dma_wait3A_65 = tpu.memref_slice %arg6[%add3A_55, %dma_wait3A_64] : memref<10240x144xf32, #tpu.memory_space<vmem_shared>> -> memref<128x144xf32, #tpu.memory_space<vmem_shared>>
      tpu.wait_dma2 semaphore(%run_scoped3A : memref<!tpu.dma_semaphore, #tpu.memory_space<semaphore_mem>>) src(%dma_wait3A_65 : memref<128x144xf32, #tpu.memory_space<vmem_shared>>) dst(%arg7 : memref<128x144xf32, #tpu.memory_space<vmem>>)
      tpu.yield
    }) : () -> ()
    "tpu.region"() ({
      %run_scoped3A = tpu.sem_alloc : memref<!tpu.dma_semaphore, #tpu.memory_space<semaphore_mem>>
      %dma_start3A_58 = arith.constant 0 : i32
      %dma_start3A_59 = tpu.memref_slice %arg5[%arg0, %add3A_55, %dma_start3A_58] : memref<2x10240x144xf32, #tpu.memory_space<hbm>> -> memref<1x128x144xf32, #tpu.memory_space<hbm>>
      %dma_start3A_60 = tpu.memref_squeeze %dma_start3A_59 : memref<1x128x144xf32, #tpu.memory_space<hbm>> -> memref<128x144xf32, #tpu.memory_space<hbm>>
      %dma_start3A_61 = arith.constant 0 : i32
      %dma_start3A_62 = tpu.memref_slice %arg5[%arg0, %add3A_55, %dma_start3A_61] : memref<2x10240x144xf32, #tpu.memory_space<hbm>> -> memref<1x128x144xf32, #tpu.memory_space<hbm>>
      %dma_start3A_63 = tpu.memref_squeeze %dma_start3A_62 : memref<1x128x144xf32, #tpu.memory_space<hbm>> -> memref<128x144xf32, #tpu.memory_space<hbm>>
      tpu.enqueue_dma source(%arg7 : memref<128x144xf32, #tpu.memory_space<vmem>>) target(%dma_start3A_63 : memref<128x144xf32, #tpu.memory_space<hbm>>) target_semaphore(%run_scoped3A : memref<!tpu.dma_semaphore, #tpu.memory_space<semaphore_mem>>)
      %dma_wait3A_64 = arith.constant 0 : i32
      %dma_wait3A_65 = tpu.memref_slice %arg5[%arg0, %add3A_55, %dma_wait3A_64] : memref<2x10240x144xf32, #tpu.memory_space<hbm>> -> memref<1x128x144xf32, #tpu.memory_space<hbm>>
      %dma_wait3A_66 = tpu.memref_squeeze %dma_wait3A_65 : memref<1x128x144xf32, #tpu.memory_space<hbm>> -> memref<128x144xf32, #tpu.memory_space<hbm>>
      %dma_wait3A_67 = arith.constant 0 : i32
      %dma_wait3A_68 = tpu.memref_slice %arg5[%arg0, %add3A_55, %dma_wait3A_67] : memref<2x10240x144xf32, #tpu.memory_space<hbm>> -> memref<1x128x144xf32, #tpu.memory_space<hbm>>
      %dma_wait3A_69 = tpu.memref_squeeze %dma_wait3A_68 : memref<1x128x144xf32, #tpu.memory_space<hbm>> -> memref<128x144xf32, #tpu.memory_space<hbm>>
      tpu.wait_dma2 semaphore(%run_scoped3A : memref<!tpu.dma_semaphore, #tpu.memory_space<semaphore_mem>>) src(%arg7 : memref<128x144xf32, #tpu.memory_space<vmem>>) dst(%dma_wait3A_69 : memref<128x144xf32, #tpu.memory_space<hbm>>)
      tpu.yield
    }) : () -> ()
    %add3A_56 = arith.constant 512 : i32
    %add3A_57 = arith.addi %mul3A_2, %add3A_56 : i32
    "tpu.region"() ({
      %run_scoped3A = tpu.sem_alloc : memref<!tpu.dma_semaphore, #tpu.memory_space<semaphore_mem>>
      %dma_start3A_58 = arith.constant 0 : i32
      %dma_start3A_59 = tpu.memref_slice %arg6[%add3A_57, %dma_start3A_58] : memref<10240x144xf32, #tpu.memory_space<vmem_shared>> -> memref<128x144xf32, #tpu.memory_space<vmem_shared>>
      %dma_start3A_60 = arith.constant 0 : i32
      %dma_start3A_61 = tpu.memref_slice %arg6[%add3A_57, %dma_start3A_60] : memref<10240x144xf32, #tpu.memory_space<vmem_shared>> -> memref<128x144xf32, #tpu.memory_space<vmem_shared>>
      tpu.enqueue_dma source(%dma_start3A_61 : memref<128x144xf32, #tpu.memory_space<vmem_shared>>) target(%arg7 : memref<128x144xf32, #tpu.memory_space<vmem>>) target_semaphore(%run_scoped3A : memref<!tpu.dma_semaphore, #tpu.memory_space<semaphore_mem>>)
      %dma_wait3A_62 = arith.constant 0 : i32
      %dma_wait3A_63 = tpu.memref_slice %arg6[%add3A_57, %dma_wait3A_62] : memref<10240x144xf32, #tpu.memory_space<vmem_shared>> -> memref<128x144xf32, #tpu.memory_space<vmem_shared>>
      %dma_wait3A_64 = arith.constant 0 : i32
      %dma_wait3A_65 = tpu.memref_slice %arg6[%add3A_57, %dma_wait3A_64] : memref<10240x144xf32, #tpu.memory_space<vmem_shared>> -> memref<128x144xf32, #tpu.memory_space<vmem_shared>>
      tpu.wait_dma2 semaphore(%run_scoped3A : memref<!tpu.dma_semaphore, #tpu.memory_space<semaphore_mem>>) src(%dma_wait3A_65 : memref<128x144xf32, #tpu.memory_space<vmem_shared>>) dst(%arg7 : memref<128x144xf32, #tpu.memory_space<vmem>>)
      tpu.yield
    }) : () -> ()
    "tpu.region"() ({
      %run_scoped3A = tpu.sem_alloc : memref<!tpu.dma_semaphore, #tpu.memory_space<semaphore_mem>>
      %dma_start3A_58 = arith.constant 0 : i32
      %dma_start3A_59 = tpu.memref_slice %arg5[%arg0, %add3A_57, %dma_start3A_58] : memref<2x10240x144xf32, #tpu.memory_space<hbm>> -> memref<1x128x144xf32, #tpu.memory_space<hbm>>
      %dma_start3A_60 = tpu.memref_squeeze %dma_start3A_59 : memref<1x128x144xf32, #tpu.memory_space<hbm>> -> memref<128x144xf32, #tpu.memory_space<hbm>>
      %dma_start3A_61 = arith.constant 0 : i32
      %dma_start3A_62 = tpu.memref_slice %arg5[%arg0, %add3A_57, %dma_start3A_61] : memref<2x10240x144xf32, #tpu.memory_space<hbm>> -> memref<1x128x144xf32, #tpu.memory_space<hbm>>
      %dma_start3A_63 = tpu.memref_squeeze %dma_start3A_62 : memref<1x128x144xf32, #tpu.memory_space<hbm>> -> memref<128x144xf32, #tpu.memory_space<hbm>>
      tpu.enqueue_dma source(%arg7 : memref<128x144xf32, #tpu.memory_space<vmem>>) target(%dma_start3A_63 : memref<128x144xf32, #tpu.memory_space<hbm>>) target_semaphore(%run_scoped3A : memref<!tpu.dma_semaphore, #tpu.memory_space<semaphore_mem>>)
      %dma_wait3A_64 = arith.constant 0 : i32
      %dma_wait3A_65 = tpu.memref_slice %arg5[%arg0, %add3A_57, %dma_wait3A_64] : memref<2x10240x144xf32, #tpu.memory_space<hbm>> -> memref<1x128x144xf32, #tpu.memory_space<hbm>>
      %dma_wait3A_66 = tpu.memref_squeeze %dma_wait3A_65 : memref<1x128x144xf32, #tpu.memory_space<hbm>> -> memref<128x144xf32, #tpu.memory_space<hbm>>
      %dma_wait3A_67 = arith.constant 0 : i32
      %dma_wait3A_68 = tpu.memref_slice %arg5[%arg0, %add3A_57, %dma_wait3A_67] : memref<2x10240x144xf32, #tpu.memory_space<hbm>> -> memref<1x128x144xf32, #tpu.memory_space<hbm>>
      %dma_wait3A_69 = tpu.memref_squeeze %dma_wait3A_68 : memref<1x128x144xf32, #tpu.memory_space<hbm>> -> memref<128x144xf32, #tpu.memory_space<hbm>>
      tpu.wait_dma2 semaphore(%run_scoped3A : memref<!tpu.dma_semaphore, #tpu.memory_space<semaphore_mem>>) src(%arg7 : memref<128x144xf32, #tpu.memory_space<vmem>>) dst(%dma_wait3A_69 : memref<128x144xf32, #tpu.memory_space<hbm>>)
      tpu.yield
    }) : () -> ()
    return
  }
}

module attributes {stable_mosaic.version = 14 : i64} {
  func.func @body(%arg0: i32, %arg1: memref<1x400x144xf32, #tpu.memory_space<vmem>>, %arg2: memref<1x400x144xf32, #tpu.memory_space<vmem>>, %arg3: memref<400x128xf32, #tpu.memory_space<vmem>>, %arg4: memref<400x1xf32, #tpu.memory_space<vmem>>, %arg5: memref<128x128xf32, #tpu.memory_space<vmem>>, %arg6: memref<1x128xf32, #tpu.memory_space<vmem>>, %arg7: memref<1x128xf32, #tpu.memory_space<vmem>>, %arg8: memref<1x128xf32, #tpu.memory_space<vmem>>, %arg9: memref<128x384xf32, #tpu.memory_space<vmem>>, %arg10: memref<128x384xf32, #tpu.memory_space<vmem>>, %arg11: memref<1x384xf32, #tpu.memory_space<vmem>>, %arg12: memref<1x384xf32, #tpu.memory_space<vmem>>, %arg13: memref<128x128xf32, #tpu.memory_space<vmem>>, %arg14: memref<1x128xf32, #tpu.memory_space<vmem>>, %arg15: memref<128x1xf32, #tpu.memory_space<vmem>>, %arg16: memref<1x1xf32, #tpu.memory_space<vmem>>, %arg17: memref<128x128xf32, #tpu.memory_space<vmem>>, %arg18: memref<1x128xf32, #tpu.memory_space<vmem>>, %arg19: memref<128x1xf32, #tpu.memory_space<vmem>>, %arg20: memref<1x1xf32, #tpu.memory_space<vmem>>, %arg21: memref<1x1xf32, #tpu.memory_space<vmem>>, %arg22: memref<400x128xf32, #tpu.memory_space<vmem>>, %arg23: memref<1x1xf32, #tpu.memory_space<smem>>, %arg24: memref<1x1xf32, #tpu.memory_space<smem>>, %arg25: memref<1x128xf32, #tpu.memory_space<vmem>>) attributes {dimension_semantics = [#tpu.dimension_semantics<arbitrary>], iteration_bounds = array<i64: 25>, scalar_prefetch = 0 : i64, scratch_operands = 3 : i64, tpu.core_type = #tpu.core_type<tc>, window_params = [{transform_indices = @transform_0, window_bounds = array<i64: 1, 400, 144>}, {transform_indices = @transform_1, window_bounds = array<i64: 1, 400, 144>}, {transform_indices = @transform_2, window_bounds = array<i64: 400, 128>}, {transform_indices = @transform_3, window_bounds = array<i64: 400, 1>}, {pipeline_mode = #tpu.pipeline_mode<synchronous>, transform_indices = @transform_4, window_bounds = array<i64: 128, 128>}, {pipeline_mode = #tpu.pipeline_mode<synchronous>, transform_indices = @transform_5, window_bounds = array<i64: 1, 128>}, {pipeline_mode = #tpu.pipeline_mode<synchronous>, transform_indices = @transform_6, window_bounds = array<i64: 1, 128>}, {pipeline_mode = #tpu.pipeline_mode<synchronous>, transform_indices = @transform_7, window_bounds = array<i64: 1, 128>}, {pipeline_mode = #tpu.pipeline_mode<synchronous>, transform_indices = @transform_8, window_bounds = array<i64: 128, 384>}, {pipeline_mode = #tpu.pipeline_mode<synchronous>, transform_indices = @transform_9, window_bounds = array<i64: 128, 384>}, {pipeline_mode = #tpu.pipeline_mode<synchronous>, transform_indices = @transform_10, window_bounds = array<i64: 1, 384>}, {pipeline_mode = #tpu.pipeline_mode<synchronous>, transform_indices = @transform_11, window_bounds = array<i64: 1, 384>}, {pipeline_mode = #tpu.pipeline_mode<synchronous>, transform_indices = @transform_12, window_bounds = array<i64: 128, 128>}, {pipeline_mode = #tpu.pipeline_mode<synchronous>, transform_indices = @transform_13, window_bounds = array<i64: 1, 128>}, {pipeline_mode = #tpu.pipeline_mode<synchronous>, transform_indices = @transform_14, window_bounds = array<i64: 128, 1>}, {pipeline_mode = #tpu.pipeline_mode<synchronous>, transform_indices = @transform_15, window_bounds = array<i64: 1, 1>}, {pipeline_mode = #tpu.pipeline_mode<synchronous>, transform_indices = @transform_16, window_bounds = array<i64: 128, 128>}, {pipeline_mode = #tpu.pipeline_mode<synchronous>, transform_indices = @transform_17, window_bounds = array<i64: 1, 128>}, {pipeline_mode = #tpu.pipeline_mode<synchronous>, transform_indices = @transform_18, window_bounds = array<i64: 128, 1>}, {pipeline_mode = #tpu.pipeline_mode<synchronous>, transform_indices = @transform_19, window_bounds = array<i64: 1, 1>}, {pipeline_mode = #tpu.pipeline_mode<synchronous>, transform_indices = @transform_20, window_bounds = array<i64: 1, 1>}, {transform_indices = @transform_21, window_bounds = array<i64: 400, 128>}]} {
    %eq3A = arith.constant 0 : i32
    %eq3A_0 = arith.cmpi eq, %arg0, %eq3A : i32
    %convert_element_type3A = arith.extui %eq3A_0 : i1 to i32
    %cond3A = arith.constant 0 : i32
    %cond3A_1 = arith.cmpi ne, %convert_element_type3A, %cond3A : i32
    scf.if %cond3A_1 {
      %swap3A_186 = arith.constant 0xFF800000 : f32
      %swap3A_187 = arith.constant 0 : index
      %swap3A_188 = arith.constant 0 : index
      %swap3A_189 = memref.load %arg23[%swap3A_187, %swap3A_188] : memref<1x1xf32, #tpu.memory_space<smem>>
      memref.store %swap3A_186, %arg23[%swap3A_187, %swap3A_188] : memref<1x1xf32, #tpu.memory_space<smem>>
      %swap3A_190 = arith.constant 0.000000e+00 : f32
      %swap3A_191 = arith.constant 0 : index
      %swap3A_192 = arith.constant 0 : index
      %swap3A_193 = memref.load %arg24[%swap3A_191, %swap3A_192] : memref<1x1xf32, #tpu.memory_space<smem>>
      memref.store %swap3A_190, %arg24[%swap3A_191, %swap3A_192] : memref<1x1xf32, #tpu.memory_space<smem>>
      %broadcast_in_dim3A_194 = arith.constant 0.000000e+00 : f32
      %broadcast_in_dim3A_195 = vector.broadcast %broadcast_in_dim3A_194 : f32 to vector<1x128xf32>
      %swap3A_196 = arith.constant 0 : index
      %swap3A_197 = arith.constant 0 : index
      %swap3A_198 = vector.load %arg25[%swap3A_196, %swap3A_197] : memref<1x128xf32, #tpu.memory_space<vmem>>, vector<1x128xf32>
      tpu.vector_store %arg25[%swap3A_196, %swap3A_197], %broadcast_in_dim3A_195 {strides = array<i32>} : memref<1x128xf32, #tpu.memory_space<vmem>>, vector<1x128xf32>,
    } else {
    }
    %get3A = arith.constant 0 : index
    %get3A_2 = arith.constant 0 : index
    %get3A_3 = arith.constant 0 : index
    %get3A_4 = vector.load %arg1[%get3A, %get3A_2, %get3A_3] : memref<1x400x144xf32, #tpu.memory_space<vmem>>, vector<1x400x144xf32>
    %get3A_5 = vector.shape_cast %get3A_4 : vector<1x400x144xf32> to vector<400x144xf32>
    %get3A_6 = arith.constant 0 : index
    %get3A_7 = arith.constant 0 : index
    %get3A_8 = arith.constant 0 : index
    %get3A_9 = vector.load %arg2[%get3A_6, %get3A_7, %get3A_8] : memref<1x400x144xf32, #tpu.memory_space<vmem>>, vector<1x400x144xf32>
    %get3A_10 = vector.shape_cast %get3A_9 : vector<1x400x144xf32> to vector<400x144xf32>
    %slice3A = vector.extract_strided_slice %get3A_5 {offsets = [0, 0], sizes = [400, 128], strides = [1, 1]} : vector<400x144xf32> to vector<400x128xf32>
    %slice3A_11 = vector.extract_strided_slice %get3A_10 {offsets = [0, 0], sizes = [400, 128], strides = [1, 1]} : vector<400x144xf32> to vector<400x128xf32>
    %add3A = arith.addf %slice3A, %slice3A_11 : vector<400x128xf32>
    %slice3A_12 = vector.extract_strided_slice %get3A_5 {offsets = [0, 128], sizes = [400, 16], strides = [1, 1]} : vector<400x144xf32> to vector<400x16xf32>
    %slice3A_13 = vector.extract_strided_slice %get3A_10 {offsets = [0, 128], sizes = [400, 16], strides = [1, 1]} : vector<400x144xf32> to vector<400x16xf32>
    %add3A_14 = arith.addf %slice3A_12, %slice3A_13 : vector<400x16xf32>
    %reduce_sum3A = arith.constant dense<0.000000e+00> : vector<400xf32>
    %reduce_sum3A_15 = vector.multi_reduction <add>, %add3A_14, %reduce_sum3A [1] : vector<400x16xf32> to vector<400xf32>
    %broadcast_in_dim3A = vector.shape_cast %reduce_sum3A_15 : vector<400xf32> to vector<400x1xf32>
    %max3A = arith.constant 1.000000e+00 : f32
    %max3A_16 = vector.broadcast %max3A : f32 to vector<400x1xf32>
    %max3A_17 = arith.maximumf %broadcast_in_dim3A, %max3A_16 : vector<400x1xf32>
    %div3A = vector.broadcast %max3A_17 : vector<400x1xf32> to vector<400x128xf32>
    %div3A_18 = arith.divf %add3A, %div3A : vector<400x128xf32>
    %get3A_19 = arith.constant 0 : index
    %get3A_20 = arith.constant 0 : index
    %get3A_21 = vector.load %arg5[%get3A_19, %get3A_20] : memref<128x128xf32, #tpu.memory_space<vmem>>, vector<128x128xf32>
    %dot_general3A = arith.constant dense<0.000000e+00> : vector<400x128xf32>
    %dot_general3A_22 = tpu.matmul %div3A_18, %get3A_21, %dot_general3A {dimension_numbers = #tpu.dot_dimension_numbers<[1], [0], [0], [1], [0, 0, 1, 1], [], []>, transpose_lhs_hint = false} : vector<400x128xf32>, vector<128x128xf32>, vector<400x128xf32> -> vector<400x128xf32>
    %get3A_23 = arith.constant 0 : index
    %get3A_24 = arith.constant 0 : index
    %get3A_25 = vector.load %arg6[%get3A_23, %get3A_24] : memref<1x128xf32, #tpu.memory_space<vmem>>, vector<1x128xf32>
    %add3A_26 = vector.broadcast %get3A_25 : vector<1x128xf32> to vector<400x128xf32>
    %add3A_27 = arith.addf %dot_general3A_22, %add3A_26 : vector<400x128xf32>
    %max3A_28 = arith.constant 0.000000e+00 : f32
    %max3A_29 = vector.broadcast %max3A_28 : f32 to vector<400x128xf32>
    %max3A_30 = arith.maximumf %add3A_27, %max3A_29 : vector<400x128xf32>
    %reduce_sum3A_31 = arith.constant dense<0.000000e+00> : vector<400xf32>
    %reduce_sum3A_32 = vector.multi_reduction <add>, %max3A_30, %reduce_sum3A_31 [1] : vector<400x128xf32> to vector<400xf32>
    %broadcast_in_dim3A_33 = vector.shape_cast %reduce_sum3A_32 : vector<400xf32> to vector<400x1xf32>
    %div3A_34 = arith.constant 1.280000e+02 : f32
    %div3A_35 = vector.broadcast %div3A_34 : f32 to vector<400x1xf32>
    %div3A_36 = arith.divf %broadcast_in_dim3A_33, %div3A_35 : vector<400x1xf32>
    %sub3A = vector.broadcast %div3A_36 : vector<400x1xf32> to vector<400x128xf32>
    %sub3A_37 = arith.subf %max3A_30, %sub3A : vector<400x128xf32>
    %mul3A = arith.mulf %sub3A_37, %sub3A_37 : vector<400x128xf32>
    %reduce_sum3A_38 = arith.constant dense<0.000000e+00> : vector<400xf32>
    %reduce_sum3A_39 = vector.multi_reduction <add>, %mul3A, %reduce_sum3A_38 [1] : vector<400x128xf32> to vector<400xf32>
    %broadcast_in_dim3A_40 = vector.shape_cast %reduce_sum3A_39 : vector<400xf32> to vector<400x1xf32>
    %div3A_41 = arith.constant 1.280000e+02 : f32
    %div3A_42 = vector.broadcast %div3A_41 : f32 to vector<400x1xf32>
    %div3A_43 = arith.divf %broadcast_in_dim3A_40, %div3A_42 : vector<400x1xf32>
    %add3A_44 = arith.constant 9.99999997E-7 : f32
    %add3A_45 = vector.broadcast %add3A_44 : f32 to vector<400x1xf32>
    %add3A_46 = arith.addf %div3A_43, %add3A_45 : vector<400x1xf32>
    %sqrt3A = math.sqrt %add3A_46 : vector<400x1xf32>
    %div3A_47 = vector.broadcast %sqrt3A : vector<400x1xf32> to vector<400x128xf32>
    %div3A_48 = arith.divf %sub3A_37, %div3A_47 : vector<400x128xf32>
    %get3A_49 = arith.constant 0 : index
    %get3A_50 = arith.constant 0 : index
    %get3A_51 = vector.load %arg7[%get3A_49, %get3A_50] : memref<1x128xf32, #tpu.memory_space<vmem>>, vector<1x128xf32>
    %mul3A_52 = vector.broadcast %get3A_51 : vector<1x128xf32> to vector<400x128xf32>
    %mul3A_53 = arith.mulf %div3A_48, %mul3A_52 : vector<400x128xf32>
    %get3A_54 = arith.constant 0 : index
    %get3A_55 = arith.constant 0 : index
    %get3A_56 = vector.load %arg8[%get3A_54, %get3A_55] : memref<1x128xf32, #tpu.memory_space<vmem>>, vector<1x128xf32>
    %add3A_57 = vector.broadcast %get3A_56 : vector<1x128xf32> to vector<400x128xf32>
    %add3A_58 = arith.addf %mul3A_53, %add3A_57 : vector<400x128xf32>
    %get3A_59 = arith.constant 0 : index
    %get3A_60 = arith.constant 0 : index
    %get3A_61 = vector.load %arg3[%get3A_59, %get3A_60] : memref<400x128xf32, #tpu.memory_space<vmem>>, vector<400x128xf32>
    %get3A_62 = arith.constant 0 : index
    %get3A_63 = arith.constant 0 : index
    %get3A_64 = vector.load %arg4[%get3A_62, %get3A_63] : memref<400x1xf32, #tpu.memory_space<vmem>>, vector<400x1xf32>
    %mul3A_65 = vector.broadcast %get3A_64 : vector<400x1xf32> to vector<400x128xf32>
    %mul3A_66 = arith.mulf %get3A_61, %mul3A_65 : vector<400x128xf32>
    %get3A_67 = arith.constant 0 : index
    %get3A_68 = arith.constant 0 : index
    %get3A_69 = vector.load %arg9[%get3A_67, %get3A_68] : memref<128x384xf32, #tpu.memory_space<vmem>>, vector<128x384xf32>
    %dot_general3A_70 = arith.constant dense<0.000000e+00> : vector<400x384xf32>
    %dot_general3A_71 = tpu.matmul %add3A_58, %get3A_69, %dot_general3A_70 {dimension_numbers = #tpu.dot_dimension_numbers<[1], [0], [0], [1], [0, 0, 1, 1], [], []>, transpose_lhs_hint = false} : vector<400x128xf32>, vector<128x384xf32>, vector<400x384xf32> -> vector<400x384xf32>
    %get3A_72 = arith.constant 0 : index
    %get3A_73 = arith.constant 0 : index
    %get3A_74 = vector.load %arg11[%get3A_72, %get3A_73] : memref<1x384xf32, #tpu.memory_space<vmem>>, vector<1x384xf32>
    %add3A_75 = vector.broadcast %get3A_74 : vector<1x384xf32> to vector<400x384xf32>
    %add3A_76 = arith.addf %dot_general3A_71, %add3A_75 : vector<400x384xf32>
    %get3A_77 = arith.constant 0 : index
    %get3A_78 = arith.constant 0 : index
    %get3A_79 = vector.load %arg10[%get3A_77, %get3A_78] : memref<128x384xf32, #tpu.memory_space<vmem>>, vector<128x384xf32>
    %dot_general3A_80 = arith.constant dense<0.000000e+00> : vector<400x384xf32>
    %dot_general3A_81 = tpu.matmul %mul3A_66, %get3A_79, %dot_general3A_80 {dimension_numbers = #tpu.dot_dimension_numbers<[1], [0], [0], [1], [0, 0, 1, 1], [], []>, transpose_lhs_hint = false} : vector<400x128xf32>, vector<128x384xf32>, vector<400x384xf32> -> vector<400x384xf32>
    %get3A_82 = arith.constant 0 : index
    %get3A_83 = arith.constant 0 : index
    %get3A_84 = vector.load %arg12[%get3A_82, %get3A_83] : memref<1x384xf32, #tpu.memory_space<vmem>>, vector<1x384xf32>
    %add3A_85 = vector.broadcast %get3A_84 : vector<1x384xf32> to vector<400x384xf32>
    %add3A_86 = arith.addf %dot_general3A_81, %add3A_85 : vector<400x384xf32>
    %slice3A_87 = vector.extract_strided_slice %add3A_76 {offsets = [0, 0], sizes = [400, 128], strides = [1, 1]} : vector<400x384xf32> to vector<400x128xf32>
    %slice3A_88 = vector.extract_strided_slice %add3A_86 {offsets = [0, 0], sizes = [400, 128], strides = [1, 1]} : vector<400x384xf32> to vector<400x128xf32>
    %add3A_89 = arith.addf %slice3A_87, %slice3A_88 : vector<400x128xf32>
    %logistic3A = arith.negf %add3A_89 : vector<400x128xf32>
    %logistic3A_90 = math.exp %logistic3A : vector<400x128xf32>
    %logistic3A_91 = arith.constant 1.000000e+00 : f32
    %logistic3A_92 = vector.broadcast %logistic3A_91 : f32 to vector<400x128xf32>
    %logistic3A_93 = arith.addf %logistic3A_92, %logistic3A_90 : vector<400x128xf32>
    %logistic3A_94 = arith.divf %logistic3A_92, %logistic3A_93 : vector<400x128xf32>
    %slice3A_95 = vector.extract_strided_slice %add3A_76 {offsets = [0, 128], sizes = [400, 128], strides = [1, 1]} : vector<400x384xf32> to vector<400x128xf32>
    %slice3A_96 = vector.extract_strided_slice %add3A_86 {offsets = [0, 128], sizes = [400, 128], strides = [1, 1]} : vector<400x384xf32> to vector<400x128xf32>
    %add3A_97 = arith.addf %slice3A_95, %slice3A_96 : vector<400x128xf32>
    %logistic3A_98 = arith.negf %add3A_97 : vector<400x128xf32>
    %logistic3A_99 = math.exp %logistic3A_98 : vector<400x128xf32>
    %logistic3A_100 = arith.constant 1.000000e+00 : f32
    %logistic3A_101 = vector.broadcast %logistic3A_100 : f32 to vector<400x128xf32>
    %logistic3A_102 = arith.addf %logistic3A_101, %logistic3A_99 : vector<400x128xf32>
    %logistic3A_103 = arith.divf %logistic3A_101, %logistic3A_102 : vector<400x128xf32>
    %slice3A_104 = vector.extract_strided_slice %add3A_76 {offsets = [0, 256], sizes = [400, 128], strides = [1, 1]} : vector<400x384xf32> to vector<400x128xf32>
    %slice3A_105 = vector.extract_strided_slice %add3A_86 {offsets = [0, 256], sizes = [400, 128], strides = [1, 1]} : vector<400x384xf32> to vector<400x128xf32>
    %mul3A_106 = arith.mulf %logistic3A_94, %slice3A_105 : vector<400x128xf32>
    %add3A_107 = arith.addf %slice3A_104, %mul3A_106 : vector<400x128xf32>
    %tanh3A = math.tanh %add3A_107 : vector<400x128xf32>
    %sub3A_108 = arith.constant 1.000000e+00 : f32
    %sub3A_109 = vector.broadcast %sub3A_108 : f32 to vector<400x128xf32>
    %sub3A_110 = arith.subf %sub3A_109, %logistic3A_103 : vector<400x128xf32>
    %mul3A_111 = arith.mulf %sub3A_110, %tanh3A : vector<400x128xf32>
    %mul3A_112 = arith.mulf %logistic3A_103, %mul3A_66 : vector<400x128xf32>
    %add3A_113 = arith.addf %mul3A_111, %mul3A_112 : vector<400x128xf32>
    %swap3A = arith.constant 0 : index
    %swap3A_114 = arith.constant 0 : index
    %swap3A_115 = vector.load %arg22[%swap3A, %swap3A_114] : memref<400x128xf32, #tpu.memory_space<vmem>>, vector<400x128xf32>
    tpu.vector_store %arg22[%swap3A, %swap3A_114], %add3A_113 {strides = array<i32>} : memref<400x128xf32, #tpu.memory_space<vmem>>, vector<400x128xf32>,
    %get3A_116 = arith.constant 0 : index
    %get3A_117 = arith.constant 0 : index
    %get3A_118 = vector.load %arg13[%get3A_116, %get3A_117] : memref<128x128xf32, #tpu.memory_space<vmem>>, vector<128x128xf32>
    %dot_general3A_119 = arith.constant dense<0.000000e+00> : vector<400x128xf32>
    %dot_general3A_120 = tpu.matmul %add3A_113, %get3A_118, %dot_general3A_119 {dimension_numbers = #tpu.dot_dimension_numbers<[1], [0], [0], [1], [0, 0, 1, 1], [], []>, transpose_lhs_hint = false} : vector<400x128xf32>, vector<128x128xf32>, vector<400x128xf32> -> vector<400x128xf32>
    %get3A_121 = arith.constant 0 : index
    %get3A_122 = arith.constant 0 : index
    %get3A_123 = vector.load %arg14[%get3A_121, %get3A_122] : memref<1x128xf32, #tpu.memory_space<vmem>>, vector<1x128xf32>
    %add3A_124 = vector.broadcast %get3A_123 : vector<1x128xf32> to vector<400x128xf32>
    %add3A_125 = arith.addf %dot_general3A_120, %add3A_124 : vector<400x128xf32>
    %max3A_126 = arith.constant 0.000000e+00 : f32
    %max3A_127 = vector.broadcast %max3A_126 : f32 to vector<400x128xf32>
    %max3A_128 = arith.maximumf %add3A_125, %max3A_127 : vector<400x128xf32>
    %get3A_129 = arith.constant 0 : index
    %get3A_130 = arith.constant 0 : index
    %get3A_131 = vector.load %arg15[%get3A_129, %get3A_130] : memref<128x1xf32, #tpu.memory_space<vmem>>, vector<128x1xf32>
    %dot_general3A_132 = arith.constant dense<0.000000e+00> : vector<400x1xf32>
    %dot_general3A_133 = tpu.matmul %max3A_128, %get3A_131, %dot_general3A_132 {dimension_numbers = #tpu.dot_dimension_numbers<[1], [0], [0], [1], [0, 0, 1, 1], [], []>, transpose_lhs_hint = false} : vector<400x128xf32>, vector<128x1xf32>, vector<400x1xf32> -> vector<400x1xf32>
    %get3A_134 = arith.constant 0 : index
    %get3A_135 = arith.constant 0 : index
    %get3A_136 = vector.load %arg16[%get3A_134, %get3A_135] : memref<1x1xf32, #tpu.memory_space<vmem>>, vector<1x1xf32>
    %add3A_137 = vector.broadcast %get3A_136 : vector<1x1xf32> to vector<400x1xf32>
    %add3A_138 = arith.addf %dot_general3A_133, %add3A_137 : vector<400x1xf32>
    %reduce_max3A = vector.shape_cast %add3A_138 : vector<400x1xf32> to vector<1x400x1xf32>
    %reduce_max3A_139 = arith.constant dense<0xFF800000> : vector<1xf32>
    %reduce_max3A_140 = vector.multi_reduction <maximumf>, %reduce_max3A, %reduce_max3A_139 [1, 2] : vector<1x400x1xf32> to vector<1xf32>
    %reduce_max3A_141 = vector.shape_cast %reduce_max3A_140 : vector<1xf32> to vector<1x1x1xf32>
    %reduce_max3A_142 = vector.extract %reduce_max3A_141[0, 0, 0] : f32 from vector<1x1x1xf32>
    %get3A_143 = arith.constant 0 : index
    %get3A_144 = arith.constant 0 : index
    %get3A_145 = memref.load %arg23[%get3A_143, %get3A_144] : memref<1x1xf32, #tpu.memory_space<smem>>
    %max3A_146 = arith.maximumf %get3A_145, %reduce_max3A_142 : f32
    %sub3A_147 = arith.subf %get3A_145, %max3A_146 : f32
    %exp3A = math.exp %sub3A_147 : f32
    %sub3A_148 = vector.broadcast %max3A_146 : f32 to vector<400x1xf32>
    %sub3A_149 = arith.subf %add3A_138, %sub3A_148 : vector<400x1xf32>
    %exp3A_150 = math.exp %sub3A_149 : vector<400x1xf32>
    %get3A_151 = arith.constant 0 : index
    %get3A_152 = arith.constant 0 : index
    %get3A_153 = memref.load %arg24[%get3A_151, %get3A_152] : memref<1x1xf32, #tpu.memory_space<smem>>
    %mul3A_154 = arith.mulf %get3A_153, %exp3A : f32
    %reduce_sum3A_155 = vector.shape_cast %exp3A_150 : vector<400x1xf32> to vector<1x400x1xf32>
    %reduce_sum3A_156 = arith.constant dense<0.000000e+00> : vector<1xf32>
    %reduce_sum3A_157 = vector.multi_reduction <add>, %reduce_sum3A_155, %reduce_sum3A_156 [1, 2] : vector<1x400x1xf32> to vector<1xf32>
    %reduce_sum3A_158 = vector.shape_cast %reduce_sum3A_157 : vector<1xf32> to vector<1x1x1xf32>
    %reduce_sum3A_159 = vector.extract %reduce_sum3A_158[0, 0, 0] : f32 from vector<1x1x1xf32>
    %add3A_160 = arith.addf %mul3A_154, %reduce_sum3A_159 : f32
    %swap3A_161 = arith.constant 0 : index
    %swap3A_162 = arith.constant 0 : index
    %swap3A_163 = memref.load %arg24[%swap3A_161, %swap3A_162] : memref<1x1xf32, #tpu.memory_space<smem>>
    memref.store %add3A_160, %arg24[%swap3A_161, %swap3A_162] : memref<1x1xf32, #tpu.memory_space<smem>>
    %get3A_164 = arith.constant 0 : index
    %get3A_165 = arith.constant 0 : index
    %get3A_166 = vector.load %arg25[%get3A_164, %get3A_165] : memref<1x128xf32, #tpu.memory_space<vmem>>, vector<1x128xf32>
    %mul3A_167 = vector.broadcast %exp3A : f32 to vector<1x128xf32>
    %mul3A_168 = arith.mulf %get3A_166, %mul3A_167 : vector<1x128xf32>
    %mul3A_169 = vector.broadcast %exp3A_150 : vector<400x1xf32> to vector<400x128xf32>
    %mul3A_170 = arith.mulf %mul3A_169, %add3A_113 : vector<400x128xf32>
    %reduce_sum3A_171 = arith.constant dense<0.000000e+00> : vector<128xf32>
    %reduce_sum3A_172 = vector.multi_reduction <add>, %mul3A_170, %reduce_sum3A_171 [0] : vector<400x128xf32> to vector<128xf32>
    %broadcast_in_dim3A_173 = vector.shape_cast %reduce_sum3A_172 : vector<128xf32> to vector<1x128xf32>
    %add3A_174 = arith.addf %mul3A_168, %broadcast_in_dim3A_173 : vector<1x128xf32>
    %swap3A_175 = arith.constant 0 : index
    %swap3A_176 = arith.constant 0 : index
    %swap3A_177 = vector.load %arg25[%swap3A_175, %swap3A_176] : memref<1x128xf32, #tpu.memory_space<vmem>>, vector<1x128xf32>
    tpu.vector_store %arg25[%swap3A_175, %swap3A_176], %add3A_174 {strides = array<i32>} : memref<1x128xf32, #tpu.memory_space<vmem>>, vector<1x128xf32>,
    %swap3A_178 = arith.constant 0 : index
    %swap3A_179 = arith.constant 0 : index
    %swap3A_180 = memref.load %arg23[%swap3A_178, %swap3A_179] : memref<1x1xf32, #tpu.memory_space<smem>>
    memref.store %max3A_146, %arg23[%swap3A_178, %swap3A_179] : memref<1x1xf32, #tpu.memory_space<smem>>
    %eq3A_181 = arith.constant 24 : i32
    %eq3A_182 = arith.cmpi eq, %arg0, %eq3A_181 : i32
    %convert_element_type3A_183 = arith.extui %eq3A_182 : i1 to i32
    %cond3A_184 = arith.constant 0 : i32
    %cond3A_185 = arith.cmpi ne, %convert_element_type3A_183, %cond3A_184 : i32
    scf.if %cond3A_185 {
      %get3A_186 = arith.constant 0 : index
      %get3A_187 = arith.constant 0 : index
      %get3A_188 = vector.load %arg25[%get3A_186, %get3A_187] : memref<1x128xf32, #tpu.memory_space<vmem>>, vector<1x128xf32>
      %get3A_189 = arith.constant 0 : index
      %get3A_190 = arith.constant 0 : index
      %get3A_191 = memref.load %arg24[%get3A_189, %get3A_190] : memref<1x1xf32, #tpu.memory_space<smem>>
      %div3A_192 = vector.broadcast %get3A_191 : f32 to vector<1x128xf32>
      %div3A_193 = arith.divf %get3A_188, %div3A_192 : vector<1x128xf32>
      %get3A_194 = arith.constant 0 : index
      %get3A_195 = arith.constant 0 : index
      %get3A_196 = vector.load %arg17[%get3A_194, %get3A_195] : memref<128x128xf32, #tpu.memory_space<vmem>>, vector<128x128xf32>
      %dot_general3A_197 = arith.constant dense<0.000000e+00> : vector<1x128xf32>
      %dot_general3A_198 = tpu.matmul %div3A_193, %get3A_196, %dot_general3A_197 {dimension_numbers = #tpu.dot_dimension_numbers<[1], [0], [0], [1], [0, 0, 1, 1], [], []>, transpose_lhs_hint = false} : vector<1x128xf32>, vector<128x128xf32>, vector<1x128xf32> -> vector<1x128xf32>
      %get3A_199 = arith.constant 0 : index
      %get3A_200 = arith.constant 0 : index
      %get3A_201 = vector.load %arg18[%get3A_199, %get3A_200] : memref<1x128xf32, #tpu.memory_space<vmem>>, vector<1x128xf32>
      %add3A_202 = arith.addf %dot_general3A_198, %get3A_201 : vector<1x128xf32>
      %max3A_203 = arith.constant 0.000000e+00 : f32
      %max3A_204 = vector.broadcast %max3A_203 : f32 to vector<1x128xf32>
      %max3A_205 = arith.maximumf %add3A_202, %max3A_204 : vector<1x128xf32>
      %get3A_206 = arith.constant 0 : index
      %get3A_207 = arith.constant 0 : index
      %get3A_208 = vector.load %arg19[%get3A_206, %get3A_207] : memref<128x1xf32, #tpu.memory_space<vmem>>, vector<128x1xf32>
      %dot_general3A_209 = arith.constant dense<0.000000e+00> : vector<1x1xf32>
      %dot_general3A_210 = tpu.matmul %max3A_205, %get3A_208, %dot_general3A_209 {dimension_numbers = #tpu.dot_dimension_numbers<[1], [0], [0], [1], [0, 0, 1, 1], [], []>, transpose_lhs_hint = false} : vector<1x128xf32>, vector<128x1xf32>, vector<1x1xf32> -> vector<1x1xf32>
      %get3A_211 = arith.constant 0 : index
      %get3A_212 = arith.constant 0 : index
      %get3A_213 = vector.load %arg20[%get3A_211, %get3A_212] : memref<1x1xf32, #tpu.memory_space<vmem>>, vector<1x1xf32>
      %add3A_214 = arith.addf %dot_general3A_210, %get3A_213 : vector<1x1xf32>
      %swap3A_215 = arith.constant 0 : index
      %swap3A_216 = arith.constant 0 : index
      %swap3A_217 = vector.load %arg21[%swap3A_215, %swap3A_216] : memref<1x1xf32, #tpu.memory_space<vmem>>, vector<1x1xf32>
      tpu.vector_store %arg21[%swap3A_215, %swap3A_216], %add3A_214 {strides = array<i32>} : memref<1x1xf32, #tpu.memory_space<vmem>>, vector<1x1xf32>,
    } else {
    }
    return
  }
  func.func @transform_0(%arg0: i32) -> (i32, i32, i32) {
    %c0_i32 = arith.constant 0 : i32
    %c0_i32_0 = arith.constant 0 : i32
    %c0_i32_1 = arith.constant 0 : i32
    return %c0_i32, %arg0, %c0_i32_0 : i32, i32, i32
  }
  func.func @transform_1(%arg0: i32) -> (i32, i32, i32) {
    %c1_i32 = arith.constant 1 : i32
    %c0_i32 = arith.constant 0 : i32
    %c0_i32_0 = arith.constant 0 : i32
    return %c1_i32, %arg0, %c0_i32 : i32, i32, i32
  }
  func.func @transform_2(%arg0: i32) -> (i32, i32) {
    %c0_i32 = arith.constant 0 : i32
    %c0_i32_0 = arith.constant 0 : i32
    return %arg0, %c0_i32 : i32, i32
  }
  func.func @transform_3(%arg0: i32) -> (i32, i32) {
    %c0_i32 = arith.constant 0 : i32
    %c0_i32_0 = arith.constant 0 : i32
    return %arg0, %c0_i32 : i32, i32
  }
  func.func @transform_4(%arg0: i32) -> (i32, i32) {
    %c0_i32 = arith.constant 0 : i32
    %c0_i32_0 = arith.constant 0 : i32
    %c0_i32_1 = arith.constant 0 : i32
    return %c0_i32, %c0_i32_0 : i32, i32
  }
  func.func @transform_5(%arg0: i32) -> (i32, i32) {
    %c0_i32 = arith.constant 0 : i32
    %c0_i32_0 = arith.constant 0 : i32
    %c0_i32_1 = arith.constant 0 : i32
    return %c0_i32, %c0_i32_0 : i32, i32
  }
  func.func @transform_6(%arg0: i32) -> (i32, i32) {
    %c0_i32 = arith.constant 0 : i32
    %c0_i32_0 = arith.constant 0 : i32
    %c0_i32_1 = arith.constant 0 : i32
    return %c0_i32, %c0_i32_0 : i32, i32
  }
  func.func @transform_7(%arg0: i32) -> (i32, i32) {
    %c0_i32 = arith.constant 0 : i32
    %c0_i32_0 = arith.constant 0 : i32
    %c0_i32_1 = arith.constant 0 : i32
    return %c0_i32, %c0_i32_0 : i32, i32
  }
  func.func @transform_8(%arg0: i32) -> (i32, i32) {
    %c0_i32 = arith.constant 0 : i32
    %c0_i32_0 = arith.constant 0 : i32
    %c0_i32_1 = arith.constant 0 : i32
    return %c0_i32, %c0_i32_0 : i32, i32
  }
  func.func @transform_9(%arg0: i32) -> (i32, i32) {
    %c0_i32 = arith.constant 0 : i32
    %c0_i32_0 = arith.constant 0 : i32
    %c0_i32_1 = arith.constant 0 : i32
    return %c0_i32, %c0_i32_0 : i32, i32
  }
  func.func @transform_10(%arg0: i32) -> (i32, i32) {
    %c0_i32 = arith.constant 0 : i32
    %c0_i32_0 = arith.constant 0 : i32
    %c0_i32_1 = arith.constant 0 : i32
    return %c0_i32, %c0_i32_0 : i32, i32
  }
  func.func @transform_11(%arg0: i32) -> (i32, i32) {
    %c0_i32 = arith.constant 0 : i32
    %c0_i32_0 = arith.constant 0 : i32
    %c0_i32_1 = arith.constant 0 : i32
    return %c0_i32, %c0_i32_0 : i32, i32
  }
  func.func @transform_12(%arg0: i32) -> (i32, i32) {
    %c0_i32 = arith.constant 0 : i32
    %c0_i32_0 = arith.constant 0 : i32
    %c0_i32_1 = arith.constant 0 : i32
    return %c0_i32, %c0_i32_0 : i32, i32
  }
  func.func @transform_13(%arg0: i32) -> (i32, i32) {
    %c0_i32 = arith.constant 0 : i32
    %c0_i32_0 = arith.constant 0 : i32
    %c0_i32_1 = arith.constant 0 : i32
    return %c0_i32, %c0_i32_0 : i32, i32
  }
  func.func @transform_14(%arg0: i32) -> (i32, i32) {
    %c0_i32 = arith.constant 0 : i32
    %c0_i32_0 = arith.constant 0 : i32
    %c0_i32_1 = arith.constant 0 : i32
    return %c0_i32, %c0_i32_0 : i32, i32
  }
  func.func @transform_15(%arg0: i32) -> (i32, i32) {
    %c0_i32 = arith.constant 0 : i32
    %c0_i32_0 = arith.constant 0 : i32
    %c0_i32_1 = arith.constant 0 : i32
    return %c0_i32, %c0_i32_0 : i32, i32
  }
  func.func @transform_16(%arg0: i32) -> (i32, i32) {
    %c0_i32 = arith.constant 0 : i32
    %c0_i32_0 = arith.constant 0 : i32
    %c0_i32_1 = arith.constant 0 : i32
    return %c0_i32, %c0_i32_0 : i32, i32
  }
  func.func @transform_17(%arg0: i32) -> (i32, i32) {
    %c0_i32 = arith.constant 0 : i32
    %c0_i32_0 = arith.constant 0 : i32
    %c0_i32_1 = arith.constant 0 : i32
    return %c0_i32, %c0_i32_0 : i32, i32
  }
  func.func @transform_18(%arg0: i32) -> (i32, i32) {
    %c0_i32 = arith.constant 0 : i32
    %c0_i32_0 = arith.constant 0 : i32
    %c0_i32_1 = arith.constant 0 : i32
    return %c0_i32, %c0_i32_0 : i32, i32
  }
  func.func @transform_19(%arg0: i32) -> (i32, i32) {
    %c0_i32 = arith.constant 0 : i32
    %c0_i32_0 = arith.constant 0 : i32
    %c0_i32_1 = arith.constant 0 : i32
    return %c0_i32, %c0_i32_0 : i32, i32
  }
  func.func @transform_20(%arg0: i32) -> (i32, i32) {
    %c0_i32 = arith.constant 0 : i32
    %c0_i32_0 = arith.constant 0 : i32
    %c0_i32_1 = arith.constant 0 : i32
    return %c0_i32, %c0_i32_0 : i32, i32
  }
  func.func @transform_21(%arg0: i32) -> (i32, i32) {
    %c0_i32 = arith.constant 0 : i32
    %c0_i32_0 = arith.constant 0 : i32
    return %arg0, %c0_i32 : i32, i32
  }
}

</mosaic_0001>

<sc_bundles>
// kernel: kernel.4.cloned.1.call-start
scs
__scs_entry_jumppad:
0x0: {  	(pc) =	sbr.rel $0x88, $3  }
0x1: {  	(tag) =	ssettag $0x0;
	lr =	simm.s32 $0x1  }
0x2: {  	[smem:$0x3F8D] =	sst lr;
	_ =	strace $0xD0000000  }
0x3: {  	_ = 	snop  }
0x4: {  	_ = 	snop  }
0x5: {  	_ = 	snop  }
0x6: {  	_ = 	snop  }
0x7: {  	_ = 	snop  }
__scs_overlays_trampoline_lowered:
0x8: {  	[smem:$0x3F9C] =	sst s0  }
0x9: {  	[smem:$0x3F9D] =	sst s1  }
0xa: {  	[smem:$0x3F9E] =	sst s2  }
0xb: {  	[smem:$0x3F9F] =	sst s3  }
0xc: {  	[smem:$0x3FA0] =	sst s4  }
0xd: {  	[smem:$0x3FA1] =	sst s5  }
0xe: {  	[smem:$0x3FA2] =	sst s6  }
0xf: {  	[smem:$0x3FA3] =	sst s7  }
0x10: {  	[smem:$0x3FA4] =	sst s8  }
0x11: {  	[smem:$0x3FA5] =	sst s9;
	s0 =	simm.s32 @!p0 $0x0  }
0x12: {  	s1 =	sld [smem:$0x3F8B];
	s0 =	simm.s32 @p0 $0x1  }
0x13: {  	[smem:$0x3FA6] =	sst s0;
	s0 =	simm.s32 @!p1 $0x0  }
0x14: {  	s2 =	sld [smem:$0x3F8A];
	s0 =	simm.s32 @p1 $0x1  }
0x15: {  	[smem:$0x3FA7] =	sst s0;
	s0 =	simm.s32 @!p2 $0x0  }
0x16: {  	s3 =	sld [smem:$0x3FDB];
	s0 =	simm.s32 @p2 $0x1  }
0x17: {  	s4 =	simm.s32 $0x1BF5;
	[smem:$0x3FA9] =	sst s0  }
0x18: {  	s0 =	sld [smem:$0x3F8C];
	_ =	swait.ge [sflag:s4], $0x0  }
0x19: {  	s7 =	sld [smem:$0x3F8D]  }
0x1a: {  	s8 =	sadd.s32 $0xFFFFE003, lr  }
0x1b: {  	s9 =	sadd.s32 $0xFFFFFEF7, lr;
	s5 =	simm.s32 $0xFFFFFFFF;
	p2 =	slt.u32 s8, $0xFFFFF086  }
0x1c: {  	p1 =	slt.u32 s9, $0xF7A;
	s5 =	simm.s32 @!p2 $0x0  }
0x1d: {  	s5 =	simm.s32 @p1 $0x1;
	p0 =	seq.s32 s7, s2  }
0x1e: {  	s7 =	smul.u32 @!p0 $0xF7A, s2;
	p2 =	seq.s32 @!p0 s5, $0x0  }
0x1f: {  	s9 =	smul.u32 $0xF7A, s1;
	s8 =	simm.s32 @!p0 $0x1BF5;
	p2 =	por !p2, p0  }
0x20: {  	[sflag:s8] =	ssyncset.s32 @!p0 $0xFFFFF086;
	s6 =	sadd.s32 @!p0 s3, s7;
	s7 =	simm.s32 @!p0 $0x108  }
0x21: {  	s3 =	sadd.s32 s3, s9;
	s6 =	sadd.s32 @!p0 $0x88, s6;
	s7 =	simm.s32 @p2 $0x1082  }
0x22: {  	[simem:s7], [sflag:s8] =	dma.local @!p0 [hbm:s6], $0xF7A  }
0x23: {  	s9 =	sor.u32 $0xD0000000, s2;
	s6 =	simm.s32 $0x108;
	_ =	swait.ge @!p0 [sflag:s8], $0x0  }
0x24: {  	s3 =	sadd.s32 $0x88, s3;
	s6 =	simm.s32 @!p1 $0x1082;
	[sflag:s4] =	ssyncset.s32 $0xFFFFF086  }
0x25: {  	[simem:s6], [sflag:s4] =	dma.local [hbm:s3], $0xF7A  }
0x26: {  	[smem:$0x3F8D] =	sst s1;
	(tag) =	ssettag s2;
	_ =	strace s9  }
0x27: {  	s1 =	sld [smem:$0x3F9D]  }
0x28: {  	s2 =	sld [smem:$0x3F9E]  }
0x29: {  	s4 =	sld [smem:$0x3FA0]  }
0x2a: {  	p0 =	seq.s32 s5, $0x0;
	s5 =	sld [smem:$0x3FA1]  }
0x2b: {  	s6 =	sld [smem:$0x3FA2]  }
0x2c: {  	s7 =	sld [smem:$0x3FA3]  }
0x2d: {  	s3 =	simm.s32 $0x108;
	s8 =	sld [smem:$0x3FA4]  }
0x2e: {  	s3 =	simm.s32 @!p0 $0x1082;
	s9 =	sld [smem:$0x3FA5]  }
0x2f: {  	lr =	sadd.s32 s0, s3;
	s0 =	sld [smem:$0x3F9C]  }
0x30: {  	s3 =	sld [smem:$0x3F9F]  }
0x31: {  	[smem:$0x3FA8] =	sst s10  }
0x32: {  	s10 =	sld [smem:$0x3FA6];
	_ =	sdelay $0x3  }
0x33: {  	p0 =	seq.s32 s10, $0x1;
	s10 =	sld [smem:$0x3FA8];
	_ =	sdelay $0x3  }
0x34: {  	[smem:$0x3FA8] =	sst s10  }
0x35: {  	s10 =	sld [smem:$0x3FA7];
	_ =	sdelay $0x3  }
0x36: {  	p1 =	seq.s32 s10, $0x1;
	s10 =	sld [smem:$0x3FA8];
	_ =	sdelay $0x3  }
0x37: {  	[smem:$0x3FA8] =	sst s10  }
0x38: {  	s10 =	sld [smem:$0x3FA9]  }
0x39: {  	_ = 	snop;
	(pc) =	sbr.ind lr, $3  }
0x3a: {  	_ = 	snop  }
0x3b: {  	_ = 	snop  }
0x3c: {  	p2 =	seq.s32 s10, $0x1;
	s10 =	sld [smem:$0x3FA8]  }
0x3d: {  	_ =	shalt  }
0x3e: {  	_ =	shalt  }
0x3f: {  	_ =	shalt  }
0x40: {  	_ =	shalt  }
0x41: {  	_ =	shalt  }
0x42: {  	_ =	shalt  }
0x43: {  	_ =	shalt  }
0x44: {  	_ =	shalt  }
0x45: {  	_ =	shalt  }
0x46: {  	_ =	shalt  }
0x47: {  	_ =	shalt  }
0x48: {  	_ =	shalt  }
0x49: {  	_ =	shalt  }
0x4a: {  	_ =	shalt  }
0x4b: {  	_ =	shalt  }
0x4c: {  	_ =	shalt  }
0x4d: {  	_ =	shalt  }
0x4e: {  	_ =	shalt  }
0x4f: {  	_ =	shalt  }
0x50: {  	_ =	shalt  }
0x51: {  	_ =	shalt  }
0x52: {  	_ =	shalt  }
0x53: {  	_ =	shalt  }
0x54: {  	_ =	shalt  }
0x55: {  	_ =	shalt  }
0x56: {  	_ =	shalt  }
0x57: {  	_ =	shalt  }
0x58: {  	_ =	shalt  }
0x59: {  	_ =	shalt  }
0x5a: {  	_ =	shalt  }
0x5b: {  	_ =	shalt  }
0x5c: {  	_ =	shalt  }
0x5d: {  	_ =	shalt  }
0x5e: {  	_ =	shalt  }
0x5f: {  	_ =	shalt  }
0x60: {  	_ =	shalt  }
0x61: {  	_ =	shalt  }
0x62: {  	_ =	shalt  }
0x63: {  	_ =	shalt  }
0x64: {  	_ =	shalt  }
0x65: {  	_ =	shalt  }
0x66: {  	_ =	shalt  }
0x67: {  	_ =	shalt  }
0x68: {  	_ =	shalt  }
0x69: {  	_ =	shalt  }
0x6a: {  	_ =	shalt  }
0x6b: {  	_ =	shalt  }
0x6c: {  	_ =	shalt  }
0x6d: {  	_ =	shalt  }
0x6e: {  	_ =	shalt  }
0x6f: {  	_ =	shalt  }
0x70: {  	_ =	shalt  }
0x71: {  	_ =	shalt  }
0x72: {  	_ =	shalt  }
0x73: {  	_ =	shalt  }
0x74: {  	_ =	shalt  }
0x75: {  	_ =	shalt  }
0x76: {  	_ =	shalt  }
0x77: {  	_ =	shalt  }
0x78: {  	_ =	shalt  }
0x79: {  	_ =	shalt  }
0x7a: {  	_ =	shalt  }
0x7b: {  	_ =	shalt  }
0x7c: {  	_ =	shalt  }
0x7d: {  	_ =	shalt  }
0x7e: {  	_ =	shalt  }
0x7f: {  	_ =	shalt  }
0x80: {  	_ =	shalt  }
0x81: {  	_ =	shalt  }
0x82: {  	_ =	shalt  }
0x83: {  	_ =	shalt  }
0x84: {  	_ =	shalt  }
0x85: {  	_ =	shalt  }
0x86: {  	_ =	shalt  }
0x87: {  	_ =	shalt  }
.Lfunc_end0:
.L_simem_size_0:
called_computation_lowered:
.L_overlay_start_0:
0x88: {  	s2 =	sld [smem:$0x3FD9]  }
0x89: {  	s3 =	sld [smem:$0x3FFE];
	_ =	sdelay $0x1  }
0x8a: {  	s1 =	srdreg.scid  }
0x8b: {  	s0 =	sand.u32 $0x1, s1  }
0x8c: {  	s14 =	sshll.u32 s0, $0xA;
	s2 =	sadd.s32 s3, s2  }
0x8d: {  	s2 =	sadd.s32 s2, s14  }
0x8e: {  	[smem:$0x3FB4] =	sst s2  }
0x8f: {  	_ = 	snop  }
0x90: {  	s2 =	sld [smem:$0x3FD0];
	_ =	sdelay $0x2  }
0x91: {  	s15 =	simm.s32 $0xA;
	s4 =	simm.s32 $0x10  }
0x92: {  	[smem:s4], [sflag:s15] =	dma.local [hbm:s2], $0x1  }
0x93: {  	_ =	swait.eq [sflag:s15], $0x1  }
0x94: {  	[sflag:s15] =	ssyncset.done $0x0  }
0x95: {  	[sflag:s15] =	ssyncadd.s32 $0xFFFFFFFF  }
0x96: {  	s16 =	sld [smem:$0x11];
	(tm) =	ssettm $0x1  }
0x97: {  	s17 =	sld [smem:$0x3FFB];
	_ =	sdelay $0x3  }
0x98: {  	_ =	strace s17  }
0x99: {  	s3 =	sld [smem:$0x3FFC];
	_ =	sdelay $0x3  }
0x9a: {  	_ =	strace s3  }
0x9b: {  	s3 =	sld [smem:$0x3FFD];
	_ =	sdelay $0x3  }
0x9c: {  	_ =	strace s3  }
0x9d: {  	_ =	strace $0x8FFFFFFF  }
0x9e: {  	s18 =	sld [smem:$0x3FDB];
	_ =	sdelay $0x1  }
0x9f: {  	s19 =	simm.s32 $_scs_section_size  }
0xa0: {  	s5 =	simm.s32 $_size__tile_overlayer_lowered;
	s6 =	simm.s32 $_tile_overlayer_lowered  }
0xa1: {  	s22 =	simm.s32 $0x1BFF;
	s21 =	sshll.u32 s6, $0x1;
	s3 =	sadd.s32 s19, s18  }
0xa2: {  	s7 =	simm.s32 $0x0;
	s20 =	sshll.u32 s5, $0x1;
	s5 =	sadd.s32 s21, s3  }
0xa3: {  	[timem:s7], [sflag:s22] =	dma.local [hbm:s5], s20  }
0xa4: {  	_ =	swait.ge [sflag:s22], s20  }
0xa5: {  	s4 =	ssub.s32 $0x0, s20;
	[sflag:s22] =	ssyncset.done $0x0  }
0xa6: {  	[sflag:s22] =	ssyncadd.s32 s4;
	_ =	sdelay $0x1  }
0xa7: {  	s23 =	simm.s32 $0x1B8B  }
0xa8: {  	_ =	swait.ge [sflag:s23], $0x1  }
0xa9: {  	[sflag:s23] =	ssyncset.done $0x0  }
0xaa: {  	s25 =	simm.s32 $0x1B8E;
	s24 =	sld [smem:$0x3FFE];
	[sflag:s23] =	ssyncadd.s32 $0xFFFFFFFF  }
0xab: {  	s26 =	simm.s32 $execute0_lowered;
	[smem:$0x3FD2] =	sst s25  }
0xac: {  	s5 =	sshll.u32 s26, $0x1;
	_ =	strace $0x80000046;
	[dreg:$0x1] =	wrdreg $0xFFFFFFFF  }
0xad: {  	s28 =	simm.s32 $_size_execute0_lowered;
	s3 =	sadd.s32 s3, s5;
	[dreg:$0x0] =	wrdreg $0x0  }
0xae: {  	s5 =	sshll.u32 s28, $0x1;
	[dreg:$0x2] =	wrdreg s3  }
0xaf: {  	[dreg:$0x3] =	wrdreg s5  }
0xb0: {  	[dreg:$0x4] =	wrdreg $0xC0  }
0xb1: {  	_ =	task [dreg:s7], $0x5FFFF  }
0xb2: {  	[dreg:$0x1] =	wrdreg $0xFFFFFFFF  }
0xb3: {  	[dreg:$0x0] =	wrdreg $0x60  }
0xb4: {  	[dreg:$0x2] =	wrdreg s24  }
0xb5: {  	[dreg:$0x3] =	wrdreg s16  }
0xb6: {  	[dreg:$0x4] =	wrdreg $0x0  }
0xb7: {  	[dreg:$0x5] =	wrdreg $0x9  }
0xb8: {  	_ =	task.clear_ibuf [dreg:s7], $0x6FFFF;
	_ =	strace $0x90000046  }
0xb9: {  	s29 =	simm.s32 $0x9;
	_ =	strace $0x80000048  }
0xba: {  	_ =	swait.ge [sflag:s29], $0x1  }
0xbb: {  	[sflag:s29] =	ssyncadd.s32 $0xFFFFFFFF  }
0xbc: {  	_ =	strace $0x90000048  }
0xbd: {  	_ =	sfence  }
0xbe: {  	s30 =	sld [smem:$0x0];
	_ =	sdelay $0x2  }
0xbf: {  	s31 =	sshll.u32 s1, $0xD;
	s1 =	sshrl.u32 s1, $0x2  }
0xc0: {  	s3 =	sand.u32 $0x4000, s31;
	s1 =	sadd.s32 s1, s30  }
0xc1: {  	s0 =	sor.u32 s3, s0;
	s1 =	sshll.u32 s1, $0x11  }
0xc2: {  	s0 =	sor.u32 s1, s0  }
0xc3: {  	s0 =	sadd.s32 $0x8F2B, s0  }
0xc4: {  	[sflag:s0] =	ssyncadd.remote.s32 $0x1  }
0xc5: {  	_ =	sfence.sel $0xFFFF  }
0xc6: {  	[dreg:$0x0] =	wrdreg $0xFFFFFFFF;
	(pc) =	sbr.abs _section_cstart, $3  }
0xc7: {  	[dreg:$0x1] =	wrdreg $0xFFFFFFFF  }
0xc8: {  	_ =	task.clear_ibuf [dreg:s7], $0x2FFFF;
	_ =	strace $0x9FFFFFFF  }
0xc9: {  	(tm) =	ssettm $0x7FFFFFFF  }
tec
execute0_lowered:
.L_overlay_start_1:
0x0: {  	(tag) =	ssettag $0x1  }
0x1: {  	s0 =	rddreg [dreg:$0x0]  }
0x2: {  	s3 =	rddreg [dreg:$0x1]  }
0x3: {  	s1 =	rddreg [dreg:$0x2];
	s2 =	simm.s32 $0x0  }
0x4: {  	s5 =	srdreg.scid;
	s21 =	stileid.u32;
	s28 =	simm.s32 $0x1F880  }
0x5: {  	s29 =	simm.s32 $0x1;
	s30 =	simm.s32 $0x80;
	s31 =	simm.s32 $0x1F900  }
0x6: {  	[smem:$0x7FF] =	sst s2;
	s4 =	sadd.s32 $0xD000, s0;
	s10 =	sand.u32 $0x1, s5  }
0x7: {  	s11 =	sadd.s32 $0x3000, s0;
	s7 =	sshll.u32 s21, $0x1;
	s12 =	smul.u32 $0x16800, s21  }
0x8: {  	s0 =	sadd.s32 $0x3A000, s0;
	s21 =	smul.u32 $0x5000, s21;
	_ =	strace $0x80000047  }
0x9: {  	s5 =	ssub.s32 $0x2, s10;
	s8 =	sor.u32 s10, s7;
	s19 =	smul.u32 $0x168000, s10  }
0xa: {  	s10 =	smul.u32 $0x2800, s10;
	s6 =	sshrl.u32 s5, $0x1;
	s14 =	sadd.s32 $0x4800, s12  }
0xb: {  	s15 =	sadd.s32 $0x9000, s12;
	s16 =	smul.u32 $0x2800, s8;
	s17 =	sadd.s32 $0xD800, s12  }
0xc: {  	s18 =	sadd.s32 $0x12000, s12;
	s13 =	ssub.s32 s5, s6;
	s5 =	sadd.s32 s12, s1  }
0xd: {  	s6 =	sadd.s32 s14, s1;
	s7 =	sadd.s32 s15, s1;
	s8 =	sadd.s32 s17, s1  }
0xe: {  	s9 =	sadd.s32 s18, s1;
	s12 =	sadd.s32 s12, s19;
	s16 =	sshrl.u32 s16, $0x3  }
0xf: {  	s23 =	sadd.s32 s19, s17;
	s12 =	sshrl.u32 s12, $0x3;
	s20 =	sadd.s32 s11, s16  }
0x10: {  	s24 =	sor.u32 $0x10, s16;
	s16 =	sadd.s32 s3, s16;
	[dreg:$0x4] =	wrdreg s20  }
0x11: {  	s10 =	sadd.s32 s10, s21;
	s12 =	sadd.s32 s0, s12;
	[dreg:$0x5] =	wrdreg s16  }
0x12: {  	s25 =	sadd.s32 s11, s24;
	s26 =	sadd.s32 s3, s24;
	[dreg:$0x8] =	wrdreg s12  }
0x13: {  	s16 =	sadd.s32 s19, s14;
	s20 =	sadd.s32 s19, s15;
	s24 =	sadd.s32 s19, s18  }
0x14: {  	s19 =	smax.u32 s13, $0x1;
	s13 =	simm.s32 $0x0;
	[dreg:$0x6] =	wrdreg s25  }
0x15: {  	[dreg:$0x7] =	wrdreg s26;
	s12 =	sshrl.u32 s16, $0x3;
	s22 =	sshrl.u32 s20, $0x3  }
0x16: {  	s14 =	sshrl.u32 s24, $0x3;
	s25 =	sor.u32 $0x180, s10;
	s10 =	sor.u32 $0x100, s10  }
0x17: {  	s24 =	simm.s32 $0x16800;
	s12 =	sadd.s32 s0, s12;
	s18 =	sadd.s32 s0, s14  }
0x18: {  	s26 =	sshrl.u32 s10, $0x3;
	[dreg:$0x9] =	wrdreg s12;
	s12 =	sadd.s32 s0, s22  }
0x19: {  	s10 =	simm.s32 $0x3;
	s22 =	sadd.s32 s26, s3;
	[dreg:$0xa] =	wrdreg s12  }
0x1a: {  	s12 =	sshrl.u32 s23, $0x3;
	s23 =	sadd.s32 s26, s11;
	s26 =	simm.s32 $0x1F800  }
0x1b: {  	s17 =	sadd.s32 s0, s12;
	s0 =	sshrl.u32 s25, $0x3;
	s25 =	simm.s32 $0x5  }
0x1c: {  	s12 =	simm.s32 $0x4;
	s20 =	sadd.s32 s0, s3;
	s21 =	sadd.s32 s0, s11  }
0x1d: {  	v0 =	vimm.f32 $0.0e+00;
	s0 =	simm.s32 $0x1F980;
	s3 =	simm.s32 $0x2;
	s11 =	simm.s32 $0x1B000  }
.LBB2_1:
0x1e: {  	s14 =	simm.s32 $0x0;
	s15 =	simm.s32 $0x240  }
.LBB2_2:
0x1f: {  	p0 =	sne.s32 s15, $0x11DC0;
	[tilespmem:s14+$0x16880] =	vst v0  }
0x20: {  	[tilespmem:s14+$0x16800] =	vst v0  }
0x21: {  	[tilespmem:s14+$0x16810] =	vst v0  }
0x22: {  	[tilespmem:s14+$0x16820] =	vst v0  }
.Ltmp0:
0x23: {  	[tilespmem:s14+$0x16830] =	vst v0;
	(pc) =	sbr.rel @p0 .LBB2_2-.Ltmp0, $4  }
0x24: {  	[tilespmem:s14+$0x16840] =	vst v0  }
0x25: {  	[tilespmem:s14+$0x16850] =	vst v0  }
0x26: {  	[tilespmem:s14+$0x16860] =	vst v0  }
0x27: {  	[tilespmem:s14+$0x16870] =	vst v0;
	s14 =	sshra.s32 s15, $0x2;
	s15 =	sadd.s32 $0x240, s15  }
0x28: {  	[tilespmem:s14+$0x16880] =	vst v0  }
0x29: {  	[tilespmem:s14+$0x16800] =	vst v0  }
0x2a: {  	[tilespmem:s14+$0x16810] =	vst v0  }
0x2b: {  	[tilespmem:s14+$0x16820] =	vst v0  }
0x2c: {  	[tilespmem:s14+$0x16830] =	vst v0  }
0x2d: {  	[tilespmem:s14+$0x16840] =	vst v0  }
0x2e: {  	[tilespmem:s14+$0x16850] =	vst v0  }
0x2f: {  	[tilespmem:s14+$0x16860] =	vst v0  }
0x30: {  	[tilespmem:s14+$0x16870] =	vst v0  }
0x31: {  	[spmem:s5] =	stream.linear.scatter [tilespmem:s24], [sflag:$0x5], $0x4800, $0x38;
	[tilespmem:$0x1FA00] =	vst v63  }
0x32: {  	_ =	swait.ge [sflag:s25], $0x4800  }
0x33: {  	[sflag:s25] =	ssyncset.done $0x0  }
0x34: {  	[sflag:s25] =	ssyncadd.s32 $0xFFFFB800  }
0x35: {  	[spmem:s6] =	stream.linear.scatter [tilespmem:s24], [sflag:$0x5], $0x4800, $0x38;
	[tilespmem:$0x1FA00] =	vst v63  }
0x36: {  	_ =	swait.ge [sflag:s25], $0x4800  }
0x37: {  	[sflag:s25] =	ssyncset.done $0x0  }
0x38: {  	[sflag:s25] =	ssyncadd.s32 $0xFFFFB800  }
0x39: {  	[spmem:s7] =	stream.linear.scatter [tilespmem:s24], [sflag:$0x5], $0x4800, $0x38;
	[tilespmem:$0x1FA00] =	vst v63  }
0x3a: {  	_ =	swait.ge [sflag:s25], $0x4800  }
0x3b: {  	[sflag:s25] =	ssyncset.done $0x0  }
0x3c: {  	[sflag:s25] =	ssyncadd.s32 $0xFFFFB800  }
0x3d: {  	[spmem:s8] =	stream.linear.scatter [tilespmem:s24], [sflag:$0x5], $0x4800, $0x38;
	[tilespmem:$0x1FA00] =	vst v63  }
0x3e: {  	_ =	swait.ge [sflag:s25], $0x4800  }
0x3f: {  	[sflag:s25] =	ssyncset.done $0x0  }
0x40: {  	[sflag:s25] =	ssyncadd.s32 $0xFFFFB800  }
0x41: {  	[spmem:s9] =	stream.linear.scatter [tilespmem:s24], [sflag:$0x5], $0x4800, $0x38;
	[tilespmem:$0x1FA00] =	vst v63  }
0x42: {  	_ =	swait.ge [sflag:s25], $0x4800  }
0x43: {  	[sflag:s25] =	ssyncset.done $0x0  }
0x44: {  	[sflag:s25] =	ssyncadd.s32 $0xFFFFB800  }
0x45: {  	[bflag:$0x0] =	sbarrier.arrive $0xFFFF  }
0x46: {  	s14 =	simm.s32 $0x0;
	s15 =	rddreg [dreg:$0x4]  }
0x47: {  	[tilespmem:s26], [sflag:$0x1] =	stream.linear.gather [hbm4b:s15+s14], $0x80, $0x38;
	[tilespmem:$0x1FA00] =	vst v63  }
0x48: {  	s16 =	rddreg [dreg:$0x5]  }
0x49: {  	[tilespmem:s28], [sflag:$0x1] =	stream.linear.gather [hbm4b:s16+s14], $0x80, $0x38;
	[tilespmem:$0x1FA00] =	vst v63  }
0x4a: {  	_ =	swait.ge [sflag:s29], $0x80  }
0x4b: {  	[sflag:s29] =	ssyncset.done $0x0  }
0x4c: {  	[sflag:s29] =	ssyncadd.s32 $0xFFFFFF80  }
0x4d: {  	_ =	swait.ge [sflag:s29], $0x80  }
0x4e: {  	[sflag:s29] =	ssyncset.done $0x0  }
0x4f: {  	[sflag:s29] =	ssyncadd.s32 $0xFFFFFF80  }
0x50: {  	[tilespmem:s24], [sflag:$0x3] =	stream.indirect.gather [hbm4b:s4+s30], $0x90, s26, s30, $0xb8;
	[tilespmem:$0x1FA00] =	vst v63  }
0x51: {  	s16 =	rddreg [dreg:$0x6]  }
0x52: {  	[tilespmem:s31], [sflag:$0x2] =	stream.linear.gather [hbm4b:s16+s14], $0x80, $0x38;
	[tilespmem:$0x1FA00] =	vst v63  }
0x53: {  	s16 =	rddreg [dreg:$0x7]  }
0x54: {  	[tilespmem:s0], [sflag:$0x2] =	stream.linear.gather [hbm4b:s16+s14], $0x80, $0x38;
	[tilespmem:$0x1FA00] =	vst v63  }
0x55: {  	_ =	swait.ge [sflag:s3], $0x80  }
0x56: {  	[sflag:s3] =	ssyncset.done $0x0  }
0x57: {  	[sflag:s3] =	ssyncadd.s32 $0xFFFFFF80  }
0x58: {  	_ =	swait.ge [sflag:s3], $0x80  }
0x59: {  	[sflag:s3] =	ssyncset.done $0x0  }
0x5a: {  	[sflag:s3] =	ssyncadd.s32 $0xFFFFFF80  }
0x5b: {  	_ =	swait.ge [sflag:s10], $0x4800  }
0x5c: {  	[sflag:s10] =	ssyncset.done $0x0  }
0x5d: {  	[sflag:s10] =	ssyncadd.s32 $0xFFFFB800  }
0x5e: {  	[tilespmem:s11], [sflag:$0x4] =	stream.indirect.gather [hbm4b:s4+s30], $0x90, s31, s30, $0xb8;
	[tilespmem:$0x1FA00] =	vst v63  }
0x5f: {  	_ = 	snop  }
0x60: {  	[spmem:s1] =	stream.indirect.scatter.add.f32 [tilespmem:s24], [sflag:$0x5], $0x90, s28, s30, $0xb8;
	[tilespmem:$0x1FA00] =	vst v63  }
0x61: {  	_ =	swait.ge [sflag:s25], $0x4800  }
0x62: {  	[sflag:s25] =	ssyncset.done $0x0  }
0x63: {  	s16 =	sadd.s32 $0x0, s23;
	[sflag:s25] =	ssyncadd.s32 $0xFFFFB800  }
0x64: {  	[tilespmem:s26], [sflag:$0x1] =	stream.linear.gather [hbm4b:s16+s2], $0x80, $0x38;
	[tilespmem:$0x1FA00] =	vst v63  }
0x65: {  	s15 =	sadd.s32 $0x0, s22  }
0x66: {  	[tilespmem:s28], [sflag:$0x1] =	stream.linear.gather [hbm4b:s15+s2], $0x80, $0x38;
	[tilespmem:$0x1FA00] =	vst v63  }
0x67: {  	_ =	swait.ge [sflag:s12], $0x4800  }
0x68: {  	[sflag:s12] =	ssyncset.done $0x0  }
0x69: {  	[sflag:s12] =	ssyncadd.s32 $0xFFFFB800  }
0x6a: {  	_ =	swait.ge [sflag:s29], $0x80  }
0x6b: {  	[sflag:s29] =	ssyncset.done $0x0  }
0x6c: {  	[sflag:s29] =	ssyncadd.s32 $0xFFFFFF80  }
0x6d: {  	_ =	swait.ge [sflag:s29], $0x80  }
0x6e: {  	[sflag:s29] =	ssyncset.done $0x0  }
0x6f: {  	[sflag:s29] =	ssyncadd.s32 $0xFFFFFF80  }
0x70: {  	[tilespmem:s24], [sflag:$0x3] =	stream.indirect.gather [hbm4b:s4+s30], $0x90, s26, s30, $0xb8;
	[tilespmem:$0x1FA00] =	vst v63  }
0x71: {  	_ = 	snop  }
0x72: {  	[spmem:s1] =	stream.indirect.scatter.add.f32 [tilespmem:s11], [sflag:$0x5], $0x90, s0, s30, $0xb8;
	[tilespmem:$0x1FA00] =	vst v63  }
0x73: {  	_ =	swait.ge [sflag:s25], $0x4800  }
0x74: {  	s14 =	simm.s32 $0x20;
	[sflag:s25] =	ssyncset.done $0x0  }
0x75: {  	s16 =	sadd.s32 $0x0, s21;
	s15 =	sadd.s32 $0x0, s20;
	[sflag:s25] =	ssyncadd.s32 $0xFFFFB800  }
0x76: {  	[tilespmem:s31], [sflag:$0x2] =	stream.linear.gather [hbm4b:s16+s2], $0x80, $0x38;
	[tilespmem:$0x1FA00] =	vst v63  }
.LBB2_4:
0x77: {  	[tilespmem:s0], [sflag:$0x2] =	stream.linear.gather [hbm4b:s15+s2], $0x80, $0x38;
	[tilespmem:$0x1FA00] =	vst v63  }
0x78: {  	s15 =	smov.u32 s14  }
0x79: {  	p0 =	sne.s32 s14, $0x4C0;
	s14 =	sadd.s32 $0x20, s14;
	_ =	swait.ge [sflag:s3], $0x80  }
0x7a: {  	[sflag:s3] =	ssyncset.done $0x0  }
0x7b: {  	[sflag:s3] =	ssyncadd.s32 $0xFFFFFF80  }
0x7c: {  	_ =	swait.ge [sflag:s3], $0x80  }
0x7d: {  	[sflag:s3] =	ssyncset.done $0x0  }
0x7e: {  	[sflag:s3] =	ssyncadd.s32 $0xFFFFFF80  }
0x7f: {  	_ =	swait.ge [sflag:s10], $0x4800  }
0x80: {  	[sflag:s10] =	ssyncset.done $0x0  }
0x81: {  	[sflag:s10] =	ssyncadd.s32 $0xFFFFB800  }
0x82: {  	[tilespmem:s11], [sflag:$0x4] =	stream.indirect.gather [hbm4b:s4+s30], $0x90, s31, s30, $0xb8;
	[tilespmem:$0x1FA00] =	vst v63  }
0x83: {  	_ = 	snop  }
0x84: {  	[spmem:s1] =	stream.indirect.scatter.add.f32 [tilespmem:s24], [sflag:$0x5], $0x90, s28, s30, $0xb8;
	[tilespmem:$0x1FA00] =	vst v63  }
0x85: {  	_ =	swait.ge [sflag:s25], $0x4800  }
0x86: {  	[sflag:s25] =	ssyncset.done $0x0  }
0x87: {  	s16 =	sadd.s32 s15, s23;
	[sflag:s25] =	ssyncadd.s32 $0xFFFFB800  }
0x88: {  	[tilespmem:s26], [sflag:$0x1] =	stream.linear.gather [hbm4b:s16+s2], $0x80, $0x38;
	[tilespmem:$0x1FA00] =	vst v63  }
0x89: {  	s16 =	sadd.s32 s15, s22  }
0x8a: {  	[tilespmem:s28], [sflag:$0x1] =	stream.linear.gather [hbm4b:s16+s2], $0x80, $0x38;
	[tilespmem:$0x1FA00] =	vst v63  }
0x8b: {  	_ =	swait.ge [sflag:s12], $0x4800  }
0x8c: {  	[sflag:s12] =	ssyncset.done $0x0  }
0x8d: {  	[sflag:s12] =	ssyncadd.s32 $0xFFFFB800  }
0x8e: {  	_ =	swait.ge [sflag:s29], $0x80  }
0x8f: {  	[sflag:s29] =	ssyncset.done $0x0  }
0x90: {  	[sflag:s29] =	ssyncadd.s32 $0xFFFFFF80  }
0x91: {  	_ =	swait.ge [sflag:s29], $0x80  }
0x92: {  	[sflag:s29] =	ssyncset.done $0x0  }
0x93: {  	[sflag:s29] =	ssyncadd.s32 $0xFFFFFF80  }
0x94: {  	[tilespmem:s24], [sflag:$0x3] =	stream.indirect.gather [hbm4b:s4+s30], $0x90, s26, s30, $0xb8;
	[tilespmem:$0x1FA00] =	vst v63  }
0x95: {  	_ = 	snop  }
0x96: {  	[spmem:s1] =	stream.indirect.scatter.add.f32 [tilespmem:s11], [sflag:$0x5], $0x90, s0, s30, $0xb8;
	[tilespmem:$0x1FA00] =	vst v63  }
.Ltmp1:
0x97: {  	_ =	swait.ge [sflag:s25], $0x4800;
	(pc) =	sbr.rel @p0 .LBB2_4-.Ltmp1, $4  }
0x98: {  	[sflag:s25] =	ssyncset.done $0x0  }
0x99: {  	s16 =	sadd.s32 s15, s21;
	[sflag:s25] =	ssyncadd.s32 $0xFFFFB800  }
0x9a: {  	[tilespmem:s31], [sflag:$0x2] =	stream.linear.gather [hbm4b:s16+s2], $0x80, $0x38;
	[tilespmem:$0x1FA00] =	vst v63  }
0x9b: {  	s15 =	sadd.s32 s15, s20  }
0x9c: {  	[tilespmem:s0], [sflag:$0x2] =	stream.linear.gather [hbm4b:s15+s2], $0x80, $0x38;
	[tilespmem:$0x1FA00] =	vst v63  }
0x9d: {  	_ =	swait.ge [sflag:s3], $0x80  }
0x9e: {  	[sflag:s3] =	ssyncset.done $0x0  }
0x9f: {  	[sflag:s3] =	ssyncadd.s32 $0xFFFFFF80  }
0xa0: {  	_ =	swait.ge [sflag:s3], $0x80  }
0xa1: {  	[sflag:s3] =	ssyncset.done $0x0  }
0xa2: {  	[sflag:s3] =	ssyncadd.s32 $0xFFFFFF80  }
0xa3: {  	_ =	swait.ge [sflag:s10], $0x4800  }
0xa4: {  	[sflag:s10] =	ssyncset.done $0x0  }
0xa5: {  	[sflag:s10] =	ssyncadd.s32 $0xFFFFB800  }
0xa6: {  	[tilespmem:s11], [sflag:$0x4] =	stream.indirect.gather [hbm4b:s4+s30], $0x90, s31, s30, $0xb8;
	[tilespmem:$0x1FA00] =	vst v63  }
0xa7: {  	_ = 	snop  }
0xa8: {  	[spmem:s1] =	stream.indirect.scatter.add.f32 [tilespmem:s24], [sflag:$0x5], $0x90, s28, s30, $0xb8;
	[tilespmem:$0x1FA00] =	vst v63  }
0xa9: {  	_ =	swait.ge [sflag:s25], $0x4800  }
0xaa: {  	[sflag:s25] =	ssyncset.done $0x0  }
0xab: {  	[sflag:s25] =	ssyncadd.s32 $0xFFFFB800  }
0xac: {  	_ =	swait.ge [sflag:s12], $0x4800  }
0xad: {  	[sflag:s12] =	ssyncset.done $0x0  }
0xae: {  	[sflag:s12] =	ssyncadd.s32 $0xFFFFB800  }
0xaf: {  	[spmem:s1] =	stream.indirect.scatter.add.f32 [tilespmem:s11], [sflag:$0x5], $0x90, s0, s30, $0xb8;
	[tilespmem:$0x1FA00] =	vst v63  }
0xb0: {  	_ =	swait.ge [sflag:s25], $0x4800  }
0xb1: {  	[sflag:s25] =	ssyncset.done $0x0  }
0xb2: {  	[sflag:s25] =	ssyncadd.s32 $0xFFFFB800  }
0xb3: {  	[bflag:$0x0] =	sbarrier.arrive $0xFFFF  }
0xb4: {  	[tilespmem:s24], [sflag:$0x5] =	stream.linear.gather [spmem:s5], $0x4800, $0x38;
	[tilespmem:$0x1FA00] =	vst v63  }
0xb5: {  	_ =	swait.ge [sflag:s25], $0x4800  }
0xb6: {  	[sflag:s25] =	ssyncset.done $0x0  }
0xb7: {  	s14 =	rddreg [dreg:$0x8];
	[sflag:s25] =	ssyncadd.s32 $0xFFFFB800  }
0xb8: {  	[hbm4b:s14+s2] =	stream.linear.scatter [tilespmem:s24], [sflag:$0x5], $0x4800, $0x38;
	[tilespmem:$0x1FA00] =	vst v63  }
0xb9: {  	_ =	swait.ge [sflag:s25], $0x4800  }
0xba: {  	[sflag:s25] =	ssyncset.done $0x0  }
0xbb: {  	[sflag:s25] =	ssyncadd.s32 $0xFFFFB800  }
0xbc: {  	[tilespmem:s24], [sflag:$0x5] =	stream.linear.gather [spmem:s6], $0x4800, $0x38;
	[tilespmem:$0x1FA00] =	vst v63  }
0xbd: {  	_ =	swait.ge [sflag:s25], $0x4800  }
0xbe: {  	[sflag:s25] =	ssyncset.done $0x0  }
0xbf: {  	s15 =	rddreg [dreg:$0x9];
	[sflag:s25] =	ssyncadd.s32 $0xFFFFB800  }
0xc0: {  	[hbm4b:s15+s2] =	stream.linear.scatter [tilespmem:s24], [sflag:$0x5], $0x4800, $0x38;
	[tilespmem:$0x1FA00] =	vst v63  }
0xc1: {  	_ =	swait.ge [sflag:s25], $0x4800  }
0xc2: {  	[sflag:s25] =	ssyncset.done $0x0  }
0xc3: {  	[sflag:s25] =	ssyncadd.s32 $0xFFFFB800  }
0xc4: {  	[tilespmem:s24], [sflag:$0x5] =	stream.linear.gather [spmem:s7], $0x4800, $0x38;
	[tilespmem:$0x1FA00] =	vst v63  }
0xc5: {  	_ =	swait.ge [sflag:s25], $0x4800  }
0xc6: {  	[sflag:s25] =	ssyncset.done $0x0  }
0xc7: {  	s16 =	rddreg [dreg:$0xa];
	[sflag:s25] =	ssyncadd.s32 $0xFFFFB800  }
0xc8: {  	[hbm4b:s16+s2] =	stream.linear.scatter [tilespmem:s24], [sflag:$0x5], $0x4800, $0x38;
	[tilespmem:$0x1FA00] =	vst v63  }
0xc9: {  	_ =	swait.ge [sflag:s25], $0x4800  }
0xca: {  	[sflag:s25] =	ssyncset.done $0x0  }
0xcb: {  	[sflag:s25] =	ssyncadd.s32 $0xFFFFB800  }
0xcc: {  	[tilespmem:s24], [sflag:$0x5] =	stream.linear.gather [spmem:s8], $0x4800, $0x38;
	[tilespmem:$0x1FA00] =	vst v63  }
0xcd: {  	_ =	swait.ge [sflag:s25], $0x4800  }
0xce: {  	[sflag:s25] =	ssyncset.done $0x0  }
0xcf: {  	[sflag:s25] =	ssyncadd.s32 $0xFFFFB800  }
0xd0: {  	[hbm4b:s17+s2] =	stream.linear.scatter [tilespmem:s24], [sflag:$0x5], $0x4800, $0x38;
	[tilespmem:$0x1FA00] =	vst v63  }
0xd1: {  	_ =	swait.ge [sflag:s25], $0x4800  }
0xd2: {  	[sflag:s25] =	ssyncset.done $0x0  }
0xd3: {  	[sflag:s25] =	ssyncadd.s32 $0xFFFFB800  }
0xd4: {  	[tilespmem:s24], [sflag:$0x5] =	stream.linear.gather [spmem:s9], $0x4800, $0x38;
	[tilespmem:$0x1FA00] =	vst v63  }
0xd5: {  	s13 =	sadd.s32 $0x1, s13;
	_ =	swait.ge [sflag:s25], $0x4800  }
0xd6: {  	p0 =	sne.s32 s13, s19;
	[sflag:s25] =	ssyncset.done $0x0  }
.Ltmp2:
0xd7: {  	[sflag:s25] =	ssyncadd.s32 $0xFFFFB800;
	(pc) =	sbr.rel @p0 .LBB2_1-.Ltmp2, $4  }
0xd8: {  	[hbm4b:s18+s2] =	stream.linear.scatter [tilespmem:s24], [sflag:$0x5], $0x4800, $0x38;
	[tilespmem:$0x1FA00] =	vst v63  }
0xd9: {  	_ =	swait.ge [sflag:s25], $0x4800  }
0xda: {  	[sflag:s25] =	ssyncset.done $0x0  }
0xdb: {  	[sflag:s25] =	ssyncadd.s32 $0xFFFFB800  }
0xdc: {  	_ =	sfence.sel $0x180000  }
0xdd: {  	[bflag:$0x0] =	sbarrier.arrive $0xFFFF  }
0xde: {  	_ =	strace $0x90000047  }
0xdf: {  	s0 =	stileid.u32;
	[bflag:$0x2] =	sbarrier.arrive $0xFFFF  }
0xe0: {  	p0 =	sne.s32 s0, $0x0;
	s0 =	rddreg [dreg:$0x3]  }
0xe1: {  	s0 =	sadd.s32 @!p0 $0x100000, s0  }
0xe2: {  	[sflag:s0] =	ssyncadd.tile.s32 @!p0 $0x1;
	_ =	shalt  }
.Lfunc_end2:
_tile_overlayer_lowered:
.L_overlay_start_2:
0xe3: {  	(tag) =	ssettag $0x2  }
0xe4: {  	s0 =	rddreg [dreg:$0x0];
	s2 =	stileid.u32  }
0xe5: {  	s1 =	rddreg [dreg:$0x1];
	p0 =	sne.s32 s2, $0x0  }
0xe6: {  	s3 =	rddreg [dreg:$0x2];
	[bflag:$0x3] =	sbarrier.arrive $0xFFFF;
	s2 =	simm.s32 @!p0 $0x1C05  }
0xe7: {  	[timem:s3], [sflag:s2] =	dma.local @!p0 [hbm:s0], s1  }
0xe8: {  	s0 =	simm.s32 @!p0 $0x5  }
0xe9: {  	_ =	swait.ge @!p0 [sflag:s0], s1  }
0xea: {  	s1 =	ssub.s32 @!p0 $0x0, s1;
	[sflag:s0] =	ssyncset.done @!p0 $0x0  }
0xeb: {  	[sflag:s0] =	ssyncadd.s32 @!p0 s1  }
0xec: {  	[bflag:$0x3] =	sbarrier.arrive $0xFFFF  }
0xed: {  	_ =	shalt  }

</sc_bundles>
